<compile_context>
chip_gen: v7x
topology: tpu7x:2x2x1
jax: 0.10.2.dev20260603
libtpu: 0.0.44.dev20260713+nightly
codegen_flags: <defaults>
</compile_context>

<pallas_src>
import functools

import jax
import jax.numpy as jnp
import numpy as np
from jax import lax
from jax.experimental import pallas as pl
from jax.experimental.pallas import tpu as pltpu
from jax.experimental.pallas import tpu_sc as plsc

_V = 1000
_D = 768
_L = 4
_E = 8
_S = 2048
_KTOK = max(1, int(_S * (1.0 / (1.0 + np.exp(-0.15)))))
_KEXP = max(1, int(0.8 * _E))
_VPAD = 1024
_CH = 256
_NCH = _D // _CH
_CHE = 256
_NCHE = _D // _CHE


def _dotk(a, b):
    acc = None
    for off in range(0, a.shape[1], 256):
        p = lax.dot_general(a[:, off:off + 256], b[off:off + 256, :],
                            (((1,), (0,)), ((), ())),
                            preferred_element_type=jnp.float32)
        acc = p if acc is None else acc + p
    return acc


def _sc_gather(emb, idx):
    info = plsc.get_sparse_core_info()
    nw = info.num_cores * info.num_subcores
    b_per_w = _S // nw
    mesh = plsc.VectorSubcoreMesh(core_axis_name="c", subcore_axis_name="s")

    @functools.partial(
        pl.kernel,
        mesh=mesh,
        out_type=jax.ShapeDtypeStruct((_S, _D), jnp.float32),
        scratch_types=[
            pltpu.VMEM((b_per_w,), jnp.int32),
            pltpu.VMEM((b_per_w, _D), jnp.float32),
            pltpu.SemaphoreType.DMA,
        ],
    )
    def k(emb_hbm, idx_hbm, out_hbm, idx_v, rows_v, sem):
        wid = lax.axis_index("s") * info.num_cores + lax.axis_index("c")
        base = wid * b_per_w
        pltpu.sync_copy(idx_hbm.at[pl.ds(base, b_per_w)], idx_v)
        pltpu.async_copy(emb_hbm.at[idx_v], rows_v, sem).wait()
        pltpu.sync_copy(rows_v, out_hbm.at[pl.ds(base, b_per_w)])

    return k(emb, idx)


def _f32_key(x):
    u = lax.bitcast_convert_type(x, jnp.uint32)
    neg = (u >> jnp.uint32(31)) > jnp.uint32(0)
    return jnp.where(neg, ~u, u | jnp.uint32(0x80000000))


def _kth_key(keys, k):

    def bit_step(i, m):
        cand = m | (jnp.uint32(1) << (jnp.uint32(31) - i.astype(jnp.uint32)))
        cnt = jnp.sum(jnp.where(keys >= cand, 1, 0).astype(jnp.int32))
        return jnp.where(cnt >= k, cand, m)

    return lax.fori_loop(0, 32, bit_step, jnp.uint32(0))


def _route_body(h_ref, gate_ref, gwt_ref, gb_ref, hm_ref, sel_ref, hn_sc):
    gate = gate_ref[...]
    s_col = jnp.zeros((_S, 1), jnp.float32)
    for c in range(_NCH):
        sl = slice(c * _CH, (c + 1) * _CH)
        h = h_ref[:, sl]
        mean = jnp.sum(h, axis=0, keepdims=True) * (1.0 / _S)
        dlt = h - mean
        var = jnp.sum(dlt * dlt, axis=0, keepdims=True) / (_S - 1.0)
        buf = (1.0 - 0.95) * mean
        hn = jnp.where(jnp.abs(dlt) > jnp.abs(buf), mean, h)
        hn = hn / jnp.sqrt(var + 1e-6)
        hn_sc[:, sl] = hn
        s_col = s_col + lax.dot_general(
            hn, gate[sl, :], (((1,), (0,)), ((), ())),
            preferred_element_type=jnp.float32)
    keys_col = _f32_key(s_col)
    thr = _kth_key(keys_col, _KTOK)
    tok = jnp.where(keys_col > thr, 1.0, 0.0)
    gs = gb_ref[...]
    gwt = gwt_ref[...]
    for c in range(_NCH):
        sl = slice(c * _CH, (c + 1) * _CH)
        hmv = hn_sc[:, sl] * tok
        hm_ref[:, sl] = hmv
        gs = gs + lax.dot_general(
            hmv, gwt[sl, :], (((1,), (0,)), ((), ())),
            preferred_element_type=jnp.float32)
    lane = lax.broadcasted_iota(jnp.int32, (_S, _E), 1)

    def rank_step(ep, rank):
        onehot = jnp.where(lane == ep, 1.0, 0.0)
        col = jnp.sum(gs * onehot, axis=1, keepdims=True)
        rank = rank + jnp.where(col > gs, 1, 0)
        return rank + jnp.where((col == gs) & (ep < lane), 1, 0)

    rank = lax.fori_loop(0, _E, rank_step, jnp.zeros((_S, _E), jnp.int32))
    sel_ref[...] = jnp.where(rank < _KEXP, 1.0, 0.0)


def _route(h, gate2, gwt, gb2):
    return pl.pallas_call(
        _route_body,
        out_shape=(jax.ShapeDtypeStruct((_S, _D), jnp.float32),
                   jax.ShapeDtypeStruct((_S, _E), jnp.float32)),
        scratch_shapes=[pltpu.VMEM((_S, _D), jnp.float32)],
    )(h, gate2, gwt, gb2)


def _expert_body(hm_ref, sel_ref, ew_ref, eb_ref, out_ref):
    sel = sel_ref[...]
    lane = lax.broadcasted_iota(jnp.int32, (_S, _E), 1)
    hmv = hm_ref[...]
    acc = jnp.zeros((_S, _CHE), jnp.float32)
    for e in range(_E):
        w = ew_ref[e]
        ye = _dotk(hmv, w)
        ye = ye + eb_ref[e]
        sel_col = jnp.sum(jnp.where(lane == e, sel, 0.0), axis=1,
                          keepdims=True)
        acc = acc + sel_col * ye
    out_ref[...] = acc


def _experts(hm, sel, ew, ebt):
    return pl.pallas_call(
        _expert_body,
        grid=(_NCHE,),
        in_specs=[
            pl.BlockSpec((_S, _D), lambda c: (0, 0)),
            pl.BlockSpec((_S, _E), lambda c: (0, 0)),
            pl.BlockSpec((_E, _D, _CHE), lambda c: (0, 0, c)),
            pl.BlockSpec((_E, 1, _CHE), lambda c: (0, 0, c)),
        ],
        out_specs=pl.BlockSpec((_S, _CHE), lambda c: (0, c)),
        out_shape=jax.ShapeDtypeStruct((_S, _D), jnp.float32),
    )(hm, sel, ew, ebt)


def _head_body(h_ref, lnw_ref, lnb_ref, hw_ref, hb_ref, out_ref, hn_sc):
    v = pl.program_id(0)

    @pl.when(v == 0)
    def _():
        h = h_ref[...]
        mu = jnp.mean(h, axis=1, keepdims=True)
        dlt = h - mu
        var = jnp.mean(dlt * dlt, axis=1, keepdims=True)
        hn = (h - mu) / jnp.sqrt(var + 1e-5)
        hn_sc[...] = hn * lnw_ref[...] + lnb_ref[...]

    logits = _dotk(hn_sc[...], hw_ref[...])
    out_ref[...] = logits + hb_ref[...]


def _head_forward(h, ln_w2, ln_b2, head_w_pad, head_b_pad):
    vt = 256
    return pl.pallas_call(
        _head_body,
        grid=(_VPAD // vt,),
        in_specs=[
            pl.BlockSpec((_S, _D), lambda v: (0, 0)),
            pl.BlockSpec((1, _D), lambda v: (0, 0)),
            pl.BlockSpec((1, _D), lambda v: (0, 0)),
            pl.BlockSpec((_D, vt), lambda v: (0, v)),
            pl.BlockSpec((1, vt), lambda v: (0, v)),
        ],
        out_specs=pl.BlockSpec((_S, vt), lambda v: (0, v)),
        out_shape=jax.ShapeDtypeStruct((_S, _VPAD), jnp.float32),
        scratch_shapes=[pltpu.VMEM((_S, _D), jnp.float32)],
    )(h, ln_w2, ln_b2, head_w_pad, head_b_pad)


def kernel(x, emb, gate_w, expert_w, expert_b, gating_w, gating_b, ln_w,
           ln_b, head_w, head_b):
    idx = x.reshape(_S).astype(jnp.int32)
    h = _sc_gather(emb, idx)
    ewt = jnp.swapaxes(expert_w, -1, -2)
    for l in range(_L):
        hm, sel = _route(h, gate_w[l].reshape(1, _D).T,
                         gating_w[l].T, gating_b[l].reshape(1, _E))
        h = _experts(hm, sel, ewt[l], expert_b[l].reshape(_E, 1, _D))
    head_w_pad = jnp.pad(head_w, ((0, _VPAD - _V), (0, 0))).T
    head_b_pad = jnp.pad(head_b, (0, _VPAD - _V)).reshape(1, _VPAD)
    logits = _head_forward(h, ln_w.reshape(1, _D), ln_b.reshape(1, _D),
                           head_w_pad, head_b_pad)
    return logits[:, :_V].reshape(1, _S, _V)

# --- scband reference (transcript-rebuilt; emitter-appended) ---
"""Pipeline reference for scband-neuro-sparse-transformer-11458972746042 (READ-ONLY COPY).

The authoritative reference and input builder live on the scoring server;
editing this copy changes nothing except your own understanding.
"""

import jax, jax.numpy as jnp
import numpy as np

V = 1000
D = 768
L = 4
E = 8
B = 1
S = 2048
DECAY = 0.95
K_TOK = max(1, int(S * (1.0 / (1.0 + np.exp(-0.15)))))
K_EXP = max(1, int(0.8 * E))


def setup_inputs(seed: int = 0):
    key = jax.random.key(seed)
    ks = jax.random.split(key, 8)
    x = jax.random.randint(ks[0], (B, S), 0, V)
    emb = jax.random.normal(ks[1], (V, D), dtype=jnp.float32) * 0.02
    gate_w = jax.random.normal(ks[2], (L, D), dtype=jnp.float32) / np.sqrt(D)
    expert_w = jax.random.normal(ks[3], (L, E, D, D), dtype=jnp.float32) / np.sqrt(D)
    expert_b = jax.random.normal(ks[4], (L, E, D), dtype=jnp.float32) * 0.01
    gating_w = jax.random.normal(ks[5], (L, E, D), dtype=jnp.float32) / np.sqrt(D)
    gating_b = jax.random.normal(ks[6], (L, E), dtype=jnp.float32) * 0.01
    ln_w = jnp.ones((D,), dtype=jnp.float32)
    ln_b = jnp.zeros((D,), dtype=jnp.float32)
    head_w = jax.random.normal(ks[7], (V, D), dtype=jnp.float32) / np.sqrt(D)
    head_b = jnp.zeros((V,), dtype=jnp.float32)
    return {"x": x, "emb": emb, "gate_w": gate_w, "expert_w": expert_w, "expert_b": expert_b, "gating_w": gating_w, "gating_b": gating_b, "ln_w": ln_w, "ln_b": ln_b, "head_w": head_w, "head_b": head_b}


def _astro_norm(h):
    # torch: mean/var over dim=1 (sequence), detached; buffer update then threshold mask
    mean = jax.lax.stop_gradient(jnp.mean(h, axis=1, keepdims=True))
    var = jax.lax.stop_gradient(jnp.var(h, axis=1, keepdims=True, ddof=1))
    # buffer starts at zeros each fresh module; buffer.data = decay*0 + (1-decay)*mean.squeeze()
    buf = DECAY * jnp.zeros((D,), dtype=h.dtype) + (1.0 - DECAY) * jnp.squeeze(mean)
    mask = jnp.abs(h - mean) > jnp.abs(buf)
    return jnp.where(mask, mean, h) / jnp.sqrt(var + 1e-6)


def _forward(x, emb, gate_w, expert_w, expert_b, gating_w, gating_b, ln_w, ln_b, head_w, head_b):
    h = jnp.take(emb, x, axis=0)
    for l in range(L):
        h = _astro_norm(h)
        # DynamicSparsityGate: keep tokens strictly above the k-th score
        scores = jnp.einsum('bsd,d->bs', h, gate_w[l])
        thr = jax.lax.top_k(scores, K_TOK)[0][:, -1:]
        tok_mask = (scores > thr).astype(h.dtype)
        h = h * tok_mask[..., None]
        # SparseExpert: top-K_EXP experts per token; each expert applied to its selected tokens
        gs = jnp.einsum('bsd,ed->bse', h, gating_w[l]) + gating_b[l]
        topk_idx = jax.lax.top_k(gs, K_EXP)[1]
        out = jnp.zeros_like(h)
        for e in range(E):
            sel = jnp.any(topk_idx == e, axis=-1).astype(h.dtype)
            ye = jnp.einsum('bsd,od->bso', h, expert_w[l, e]) + expert_b[l, e]
            out = out + sel[..., None] * ye
        h = out
    # LayerNorm (biased var, eps=1e-5) then head
    mu = jnp.mean(h, axis=-1, keepdims=True)
    sig = jnp.var(h, axis=-1, keepdims=True)
    hn = (h - mu) / jnp.sqrt(sig + 1e-5) * ln_w + ln_b
    return jnp.einsum('bsd,vd->bsv', hn, head_w) + head_b


def reference(x, emb, gate_w, expert_w, expert_b, gating_w, gating_b, ln_w, ln_b, head_w, head_b):
    return _forward(x, emb, gate_w, expert_w, expert_b, gating_w, gating_b, ln_w, ln_b, head_w, head_b)

if __name__ == "__main__":
    import jax
    _d = setup_inputs()
    print(jax.jit(kernel)(*tuple(_d.values())))

</pallas_src>

<mosaic_0001>
#map = affine_map<(d0, d1) -> (0, 0)>
#map1 = affine_map<(d0, d1) -> (0)>
module attributes {stable_mosaic.version = 14 : i64} {
  func.func @k(%arg0: i32, %arg1: i32, %arg2: memref<1000x768xf32, #tpu.memory_space<hbm>>, %arg3: memref<2048xi32, #tpu.memory_space<hbm>>, %arg4: memref<2048x768xf32, #tpu.memory_space<hbm>>, %arg5: memref<64xi32, #tpu.memory_space<vmem>>, %arg6: memref<64x768xf32, #tpu.memory_space<vmem>>, %arg7: memref<!tpu.dma_semaphore, #tpu.memory_space<semaphore_mem>>) attributes {dimension_semantics = [#tpu.dimension_semantics<core_parallel>, #tpu.dimension_semantics<subcore_parallel>], iteration_bounds = array<i64: 2, 16>, scalar_prefetch = 0 : i64, scratch_operands = 3 : i64, tpu.core_type = #tpu.core_type<sc_vector_subcore>, window_params = [{transform_indices = #map}, {transform_indices = #map1}, {transform_indices = #map}]} {
    %mul3A = arith.constant 2 : i32
    %mul3A_0 = arith.muli %arg1, %mul3A : i32
    %add3A = arith.addi %mul3A_0, %arg0 : i32
    %mul3A_1 = arith.constant 64 : i32
    %mul3A_2 = arith.muli %add3A, %mul3A_1 : i32
    "tpu.region"() ({
      %run_scoped3A = tpu.sem_alloc : memref<!tpu.dma_semaphore, #tpu.memory_space<semaphore_mem>>
      %dma_start3A_7 = tpu.memref_slice %arg3[%mul3A_2] : memref<2048xi32, #tpu.memory_space<hbm>> -> memref<64xi32, #tpu.memory_space<hbm>>
      %dma_start3A_8 = tpu.memref_slice %arg3[%mul3A_2] : memref<2048xi32, #tpu.memory_space<hbm>> -> memref<64xi32, #tpu.memory_space<hbm>>
      tpu.enqueue_dma source(%dma_start3A_8 : memref<64xi32, #tpu.memory_space<hbm>>) target(%arg5 : memref<64xi32, #tpu.memory_space<vmem>>) target_semaphore(%run_scoped3A : memref<!tpu.dma_semaphore, #tpu.memory_space<semaphore_mem>>)
      %dma_wait3A_9 = tpu.memref_slice %arg3[%mul3A_2] : memref<2048xi32, #tpu.memory_space<hbm>> -> memref<64xi32, #tpu.memory_space<hbm>>
      %dma_wait3A_10 = tpu.memref_slice %arg3[%mul3A_2] : memref<2048xi32, #tpu.memory_space<hbm>> -> memref<64xi32, #tpu.memory_space<hbm>>
      tpu.wait_dma2 semaphore(%run_scoped3A : memref<!tpu.dma_semaphore, #tpu.memory_space<semaphore_mem>>) src(%dma_wait3A_10 : memref<64xi32, #tpu.memory_space<hbm>>) dst(%arg5 : memref<64xi32, #tpu.memory_space<vmem>>)
      tpu.yield
    }) : () -> ()
    %dma_start3A = arith.constant 0 : i32
    %dma_start3A_3 = arith.constant 0 : i32
    %dma_start3A_4 = tpu.memref_slice %arg2[%dma_start3A, %dma_start3A_3] : memref<1000x768xf32, #tpu.memory_space<hbm>> -> memref<1000x768xf32, #tpu.memory_space<hbm>>
    tpu.enqueue_indirect_dma source(%dma_start3A_4 : memref<1000x768xf32, #tpu.memory_space<hbm>>) target(%arg6 : memref<64x768xf32, #tpu.memory_space<vmem>>) offsets(%arg5 : memref<64xi32, #tpu.memory_space<vmem>>) semaphore(%arg7 : memref<!tpu.dma_semaphore, #tpu.memory_space<semaphore_mem>>)
    %dma_wait3A = arith.constant 0 : i32
    %dma_wait3A_5 = arith.constant 0 : i32
    %dma_wait3A_6 = tpu.memref_slice %arg2[%dma_wait3A, %dma_wait3A_5] : memref<1000x768xf32, #tpu.memory_space<hbm>> -> memref<1000x768xf32, #tpu.memory_space<hbm>>
    tpu.wait_indirect_dma semaphore(%arg7 : memref<!tpu.dma_semaphore, #tpu.memory_space<semaphore_mem>>) src(%dma_wait3A_6 : memref<1000x768xf32, #tpu.memory_space<hbm>>) dst(%arg6 : memref<64x768xf32, #tpu.memory_space<vmem>>)
    "tpu.region"() ({
      %run_scoped3A = tpu.sem_alloc : memref<!tpu.dma_semaphore, #tpu.memory_space<semaphore_mem>>
      %dma_start3A_7 = arith.constant 0 : i32
      %dma_start3A_8 = tpu.memref_slice %arg4[%mul3A_2, %dma_start3A_7] : memref<2048x768xf32, #tpu.memory_space<hbm>> -> memref<64x768xf32, #tpu.memory_space<hbm>>
      %dma_start3A_9 = arith.constant 0 : i32
      %dma_start3A_10 = tpu.memref_slice %arg4[%mul3A_2, %dma_start3A_9] : memref<2048x768xf32, #tpu.memory_space<hbm>> -> memref<64x768xf32, #tpu.memory_space<hbm>>
      tpu.enqueue_dma source(%arg6 : memref<64x768xf32, #tpu.memory_space<vmem>>) target(%dma_start3A_10 : memref<64x768xf32, #tpu.memory_space<hbm>>) target_semaphore(%run_scoped3A : memref<!tpu.dma_semaphore, #tpu.memory_space<semaphore_mem>>)
      %dma_wait3A_11 = arith.constant 0 : i32
      %dma_wait3A_12 = tpu.memref_slice %arg4[%mul3A_2, %dma_wait3A_11] : memref<2048x768xf32, #tpu.memory_space<hbm>> -> memref<64x768xf32, #tpu.memory_space<hbm>>
      %dma_wait3A_13 = arith.constant 0 : i32
      %dma_wait3A_14 = tpu.memref_slice %arg4[%mul3A_2, %dma_wait3A_13] : memref<2048x768xf32, #tpu.memory_space<hbm>> -> memref<64x768xf32, #tpu.memory_space<hbm>>
      tpu.wait_dma2 semaphore(%run_scoped3A : memref<!tpu.dma_semaphore, #tpu.memory_space<semaphore_mem>>) src(%arg6 : memref<64x768xf32, #tpu.memory_space<vmem>>) dst(%dma_wait3A_14 : memref<64x768xf32, #tpu.memory_space<hbm>>)
      tpu.yield
    }) : () -> ()
    return
  }
}

module attributes {stable_mosaic.version = 14 : i64} {
  func.func @_route_body(%arg0: memref<2048x768xf32, #tpu.memory_space<vmem>>, %arg1: memref<768x1xf32, #tpu.memory_space<vmem>>, %arg2: memref<768x8xf32, #tpu.memory_space<vmem>>, %arg3: memref<1x8xf32, #tpu.memory_space<vmem>>, %arg4: memref<2048x768xf32, #tpu.memory_space<vmem>>, %arg5: memref<2048x8xf32, #tpu.memory_space<vmem>>, %arg6: memref<2048x768xf32, #tpu.memory_space<vmem>>) attributes {dimension_semantics = [], scalar_prefetch = 0 : i64, scratch_operands = 1 : i64, tpu.core_type = #tpu.core_type<tc>} {
    %get3A = arith.constant 0 : index
    %get3A_0 = arith.constant 0 : index
    %get3A_1 = vector.load %arg1[%get3A, %get3A_0] : memref<768x1xf32, #tpu.memory_space<vmem>>, vector<768x1xf32>
    %broadcast_in_dim3A = arith.constant 0.000000e+00 : f32
    %broadcast_in_dim3A_2 = vector.broadcast %broadcast_in_dim3A : f32 to vector<2048x1xf32>
    %get3A_3 = arith.constant 0 : index
    %get3A_4 = arith.constant 0 : index
    %get3A_5 = vector.load %arg0[%get3A_3, %get3A_4] : memref<2048x768xf32, #tpu.memory_space<vmem>>, vector<2048x256xf32>
    %reduce_sum3A = arith.constant dense<0.000000e+00> : vector<256xf32>
    %reduce_sum3A_6 = vector.multi_reduction <add>, %get3A_5, %reduce_sum3A [0] : vector<2048x256xf32> to vector<256xf32>
    %broadcast_in_dim3A_7 = vector.shape_cast %reduce_sum3A_6 : vector<256xf32> to vector<1x256xf32>
    %mul3A = arith.constant 4.8828125E-4 : f32
    %mul3A_8 = vector.broadcast %mul3A : f32 to vector<1x256xf32>
    %mul3A_9 = arith.mulf %broadcast_in_dim3A_7, %mul3A_8 : vector<1x256xf32>
    %sub3A = vector.broadcast %mul3A_9 : vector<1x256xf32> to vector<2048x256xf32>
    %sub3A_10 = arith.subf %get3A_5, %sub3A : vector<2048x256xf32>
    %mul3A_11 = arith.mulf %sub3A_10, %sub3A_10 : vector<2048x256xf32>
    %reduce_sum3A_12 = arith.constant dense<0.000000e+00> : vector<256xf32>
    %reduce_sum3A_13 = vector.multi_reduction <add>, %mul3A_11, %reduce_sum3A_12 [0] : vector<2048x256xf32> to vector<256xf32>
    %broadcast_in_dim3A_14 = vector.shape_cast %reduce_sum3A_13 : vector<256xf32> to vector<1x256xf32>
    %div3A = arith.constant 2.047000e+03 : f32
    %div3A_15 = vector.broadcast %div3A : f32 to vector<1x256xf32>
    %div3A_16 = arith.divf %broadcast_in_dim3A_14, %div3A_15 : vector<1x256xf32>
    %mul3A_17 = arith.constant 5.000000e-02 : f32
    %mul3A_18 = vector.broadcast %mul3A_17 : f32 to vector<1x256xf32>
    %mul3A_19 = arith.mulf %mul3A_18, %mul3A_9 : vector<1x256xf32>
    %abs3A = math.absf %sub3A_10 : vector<2048x256xf32>
    %abs3A_20 = math.absf %mul3A_19 : vector<1x256xf32>
    %gt3A = vector.broadcast %abs3A_20 : vector<1x256xf32> to vector<2048x256xf32>
    %gt3A_21 = arith.cmpf ogt, %abs3A, %gt3A : vector<2048x256xf32>
    %broadcast_in_dim3A_22 = vector.shape_cast %mul3A_9 : vector<1x256xf32> to vector<1x256xf32>
    %broadcast_in_dim3A_23 = vector.broadcast %broadcast_in_dim3A_22 : vector<1x256xf32> to vector<2048x256xf32>
    %select_n3A = arith.select %gt3A_21, %broadcast_in_dim3A_23, %get3A_5 : vector<2048x256xi1>, vector<2048x256xf32>
    %add3A = arith.constant 9.99999997E-7 : f32
    %add3A_24 = vector.broadcast %add3A : f32 to vector<1x256xf32>
    %add3A_25 = arith.addf %div3A_16, %add3A_24 : vector<1x256xf32>
    %sqrt3A = math.sqrt %add3A_25 : vector<1x256xf32>
    %div3A_26 = vector.broadcast %sqrt3A : vector<1x256xf32> to vector<2048x256xf32>
    %div3A_27 = arith.divf %select_n3A, %div3A_26 : vector<2048x256xf32>
    %swap3A = arith.constant 0 : index
    %swap3A_28 = arith.constant 0 : index
    %swap3A_29 = vector.load %arg6[%swap3A, %swap3A_28] : memref<2048x768xf32, #tpu.memory_space<vmem>>, vector<2048x256xf32>
    tpu.vector_store %arg6[%swap3A, %swap3A_28], %div3A_27 {strides = array<i32>} : memref<2048x768xf32, #tpu.memory_space<vmem>>, vector<2048x256xf32>,
    %slice3A = vector.extract_strided_slice %get3A_1 {offsets = [0, 0], sizes = [256, 1], strides = [1, 1]} : vector<768x1xf32> to vector<256x1xf32>
    %dot_general3A = arith.constant dense<0.000000e+00> : vector<2048x1xf32>
    %dot_general3A_30 = tpu.matmul %div3A_27, %slice3A, %dot_general3A {dimension_numbers = #tpu.dot_dimension_numbers<[1], [0], [0], [1], [0, 0, 1, 1], [], []>, transpose_lhs_hint = false} : vector<2048x256xf32>, vector<256x1xf32>, vector<2048x1xf32> -> vector<2048x1xf32>
    %add3A_31 = arith.addf %broadcast_in_dim3A_2, %dot_general3A_30 : vector<2048x1xf32>
    %get3A_32 = arith.constant 0 : index
    %get3A_33 = arith.constant 256 : index
    %get3A_34 = vector.load %arg0[%get3A_32, %get3A_33] : memref<2048x768xf32, #tpu.memory_space<vmem>>, vector<2048x256xf32>
    %reduce_sum3A_35 = arith.constant dense<0.000000e+00> : vector<256xf32>
    %reduce_sum3A_36 = vector.multi_reduction <add>, %get3A_34, %reduce_sum3A_35 [0] : vector<2048x256xf32> to vector<256xf32>
    %broadcast_in_dim3A_37 = vector.shape_cast %reduce_sum3A_36 : vector<256xf32> to vector<1x256xf32>
    %mul3A_38 = arith.constant 4.8828125E-4 : f32
    %mul3A_39 = vector.broadcast %mul3A_38 : f32 to vector<1x256xf32>
    %mul3A_40 = arith.mulf %broadcast_in_dim3A_37, %mul3A_39 : vector<1x256xf32>
    %sub3A_41 = vector.broadcast %mul3A_40 : vector<1x256xf32> to vector<2048x256xf32>
    %sub3A_42 = arith.subf %get3A_34, %sub3A_41 : vector<2048x256xf32>
    %mul3A_43 = arith.mulf %sub3A_42, %sub3A_42 : vector<2048x256xf32>
    %reduce_sum3A_44 = arith.constant dense<0.000000e+00> : vector<256xf32>
    %reduce_sum3A_45 = vector.multi_reduction <add>, %mul3A_43, %reduce_sum3A_44 [0] : vector<2048x256xf32> to vector<256xf32>
    %broadcast_in_dim3A_46 = vector.shape_cast %reduce_sum3A_45 : vector<256xf32> to vector<1x256xf32>
    %div3A_47 = arith.constant 2.047000e+03 : f32
    %div3A_48 = vector.broadcast %div3A_47 : f32 to vector<1x256xf32>
    %div3A_49 = arith.divf %broadcast_in_dim3A_46, %div3A_48 : vector<1x256xf32>
    %mul3A_50 = arith.constant 5.000000e-02 : f32
    %mul3A_51 = vector.broadcast %mul3A_50 : f32 to vector<1x256xf32>
    %mul3A_52 = arith.mulf %mul3A_51, %mul3A_40 : vector<1x256xf32>
    %abs3A_53 = math.absf %sub3A_42 : vector<2048x256xf32>
    %abs3A_54 = math.absf %mul3A_52 : vector<1x256xf32>
    %gt3A_55 = vector.broadcast %abs3A_54 : vector<1x256xf32> to vector<2048x256xf32>
    %gt3A_56 = arith.cmpf ogt, %abs3A_53, %gt3A_55 : vector<2048x256xf32>
    %broadcast_in_dim3A_57 = vector.shape_cast %mul3A_40 : vector<1x256xf32> to vector<1x256xf32>
    %broadcast_in_dim3A_58 = vector.broadcast %broadcast_in_dim3A_57 : vector<1x256xf32> to vector<2048x256xf32>
    %select_n3A_59 = arith.select %gt3A_56, %broadcast_in_dim3A_58, %get3A_34 : vector<2048x256xi1>, vector<2048x256xf32>
    %add3A_60 = arith.constant 9.99999997E-7 : f32
    %add3A_61 = vector.broadcast %add3A_60 : f32 to vector<1x256xf32>
    %add3A_62 = arith.addf %div3A_49, %add3A_61 : vector<1x256xf32>
    %sqrt3A_63 = math.sqrt %add3A_62 : vector<1x256xf32>
    %div3A_64 = vector.broadcast %sqrt3A_63 : vector<1x256xf32> to vector<2048x256xf32>
    %div3A_65 = arith.divf %select_n3A_59, %div3A_64 : vector<2048x256xf32>
    %swap3A_66 = arith.constant 0 : index
    %swap3A_67 = arith.constant 256 : index
    %swap3A_68 = vector.load %arg6[%swap3A_66, %swap3A_67] : memref<2048x768xf32, #tpu.memory_space<vmem>>, vector<2048x256xf32>
    tpu.vector_store %arg6[%swap3A_66, %swap3A_67], %div3A_65 {strides = array<i32>} : memref<2048x768xf32, #tpu.memory_space<vmem>>, vector<2048x256xf32>,
    %slice3A_69 = vector.extract_strided_slice %get3A_1 {offsets = [256, 0], sizes = [256, 1], strides = [1, 1]} : vector<768x1xf32> to vector<256x1xf32>
    %dot_general3A_70 = arith.constant dense<0.000000e+00> : vector<2048x1xf32>
    %dot_general3A_71 = tpu.matmul %div3A_65, %slice3A_69, %dot_general3A_70 {dimension_numbers = #tpu.dot_dimension_numbers<[1], [0], [0], [1], [0, 0, 1, 1], [], []>, transpose_lhs_hint = false} : vector<2048x256xf32>, vector<256x1xf32>, vector<2048x1xf32> -> vector<2048x1xf32>
    %add3A_72 = arith.addf %add3A_31, %dot_general3A_71 : vector<2048x1xf32>
    %get3A_73 = arith.constant 0 : index
    %get3A_74 = arith.constant 512 : index
    %get3A_75 = vector.load %arg0[%get3A_73, %get3A_74] : memref<2048x768xf32, #tpu.memory_space<vmem>>, vector<2048x256xf32>
    %reduce_sum3A_76 = arith.constant dense<0.000000e+00> : vector<256xf32>
    %reduce_sum3A_77 = vector.multi_reduction <add>, %get3A_75, %reduce_sum3A_76 [0] : vector<2048x256xf32> to vector<256xf32>
    %broadcast_in_dim3A_78 = vector.shape_cast %reduce_sum3A_77 : vector<256xf32> to vector<1x256xf32>
    %mul3A_79 = arith.constant 4.8828125E-4 : f32
    %mul3A_80 = vector.broadcast %mul3A_79 : f32 to vector<1x256xf32>
    %mul3A_81 = arith.mulf %broadcast_in_dim3A_78, %mul3A_80 : vector<1x256xf32>
    %sub3A_82 = vector.broadcast %mul3A_81 : vector<1x256xf32> to vector<2048x256xf32>
    %sub3A_83 = arith.subf %get3A_75, %sub3A_82 : vector<2048x256xf32>
    %mul3A_84 = arith.mulf %sub3A_83, %sub3A_83 : vector<2048x256xf32>
    %reduce_sum3A_85 = arith.constant dense<0.000000e+00> : vector<256xf32>
    %reduce_sum3A_86 = vector.multi_reduction <add>, %mul3A_84, %reduce_sum3A_85 [0] : vector<2048x256xf32> to vector<256xf32>
    %broadcast_in_dim3A_87 = vector.shape_cast %reduce_sum3A_86 : vector<256xf32> to vector<1x256xf32>
    %div3A_88 = arith.constant 2.047000e+03 : f32
    %div3A_89 = vector.broadcast %div3A_88 : f32 to vector<1x256xf32>
    %div3A_90 = arith.divf %broadcast_in_dim3A_87, %div3A_89 : vector<1x256xf32>
    %mul3A_91 = arith.constant 5.000000e-02 : f32
    %mul3A_92 = vector.broadcast %mul3A_91 : f32 to vector<1x256xf32>
    %mul3A_93 = arith.mulf %mul3A_92, %mul3A_81 : vector<1x256xf32>
    %abs3A_94 = math.absf %sub3A_83 : vector<2048x256xf32>
    %abs3A_95 = math.absf %mul3A_93 : vector<1x256xf32>
    %gt3A_96 = vector.broadcast %abs3A_95 : vector<1x256xf32> to vector<2048x256xf32>
    %gt3A_97 = arith.cmpf ogt, %abs3A_94, %gt3A_96 : vector<2048x256xf32>
    %broadcast_in_dim3A_98 = vector.shape_cast %mul3A_81 : vector<1x256xf32> to vector<1x256xf32>
    %broadcast_in_dim3A_99 = vector.broadcast %broadcast_in_dim3A_98 : vector<1x256xf32> to vector<2048x256xf32>
    %select_n3A_100 = arith.select %gt3A_97, %broadcast_in_dim3A_99, %get3A_75 : vector<2048x256xi1>, vector<2048x256xf32>
    %add3A_101 = arith.constant 9.99999997E-7 : f32
    %add3A_102 = vector.broadcast %add3A_101 : f32 to vector<1x256xf32>
    %add3A_103 = arith.addf %div3A_90, %add3A_102 : vector<1x256xf32>
    %sqrt3A_104 = math.sqrt %add3A_103 : vector<1x256xf32>
    %div3A_105 = vector.broadcast %sqrt3A_104 : vector<1x256xf32> to vector<2048x256xf32>
    %div3A_106 = arith.divf %select_n3A_100, %div3A_105 : vector<2048x256xf32>
    %swap3A_107 = arith.constant 0 : index
    %swap3A_108 = arith.constant 512 : index
    %swap3A_109 = vector.load %arg6[%swap3A_107, %swap3A_108] : memref<2048x768xf32, #tpu.memory_space<vmem>>, vector<2048x256xf32>
    tpu.vector_store %arg6[%swap3A_107, %swap3A_108], %div3A_106 {strides = array<i32>} : memref<2048x768xf32, #tpu.memory_space<vmem>>, vector<2048x256xf32>,
    %slice3A_110 = vector.extract_strided_slice %get3A_1 {offsets = [512, 0], sizes = [256, 1], strides = [1, 1]} : vector<768x1xf32> to vector<256x1xf32>
    %dot_general3A_111 = arith.constant dense<0.000000e+00> : vector<2048x1xf32>
    %dot_general3A_112 = tpu.matmul %div3A_106, %slice3A_110, %dot_general3A_111 {dimension_numbers = #tpu.dot_dimension_numbers<[1], [0], [0], [1], [0, 0, 1, 1], [], []>, transpose_lhs_hint = false} : vector<2048x256xf32>, vector<256x1xf32>, vector<2048x1xf32> -> vector<2048x1xf32>
    %add3A_113 = arith.addf %add3A_72, %dot_general3A_112 : vector<2048x1xf32>
    %bitcast_convert_type3A = tpu.bitcast %add3A_113 : vector<2048x1xf32> -> vector<2048x1xi32>
    %shift_right_logical3A = arith.constant 31 : i32
    %shift_right_logical3A_114 = vector.broadcast %shift_right_logical3A : i32 to vector<2048x1xi32>
    %shift_right_logical3A_115 = arith.shrui %bitcast_convert_type3A, %shift_right_logical3A_114 : vector<2048x1xi32>
    %gt3A_116 = arith.constant 0 : i32
    %gt3A_117 = vector.broadcast %gt3A_116 : i32 to vector<2048x1xi32>
    %gt3A_118 = arith.cmpi ugt, %shift_right_logical3A_115, %gt3A_117 : vector<2048x1xi32>
    %not3A = arith.constant dense<-1> : vector<2048x1xi32>
    %not3A_119 = arith.xori %bitcast_convert_type3A, %not3A : vector<2048x1xi32>
    %or3A = arith.constant -2147483648 : i32
    %or3A_120 = vector.broadcast %or3A : i32 to vector<2048x1xi32>
    %or3A_121 = arith.ori %bitcast_convert_type3A, %or3A_120 : vector<2048x1xi32>
    %select_n3A_122 = arith.select %gt3A_118, %not3A_119, %or3A_121 : vector<2048x1xi1>, vector<2048x1xi32>
    %scan3A = arith.constant 0 : i32
    %scan3A_123 = arith.constant 0 : i32
    %scan3A_124 = arith.constant 32 : i32
    %scan3A_125 = arith.addi %scan3A_123, %scan3A_124 : i32
    %scan3A_126 = arith.constant 1 : i32
    %scan3A_127 = scf.for %scan3A_196 = %scan3A_123 to %scan3A_125 step %scan3A_126 iter_args(%scan3A_197 = %scan3A) -> (i32)  : i32 {
      %sub3A_198 = arith.constant 31 : i32
      %sub3A_199 = arith.subi %sub3A_198, %scan3A_196 : i32
      %shift_left3A = arith.constant 1 : i32
      %shift_left3A_200 = arith.shli %shift_left3A, %sub3A_199 : i32
      %or3A_201 = arith.ori %scan3A_197, %shift_left3A_200 : i32
      %ge3A = vector.broadcast %or3A_201 : i32 to vector<2048x1xi32>
      %ge3A_202 = arith.cmpi uge, %select_n3A_122, %ge3A : vector<2048x1xi32>
      %jit3A_203 = arith.constant 1 : i32
      %jit3A_204 = arith.constant 0 : i32
      %broadcast_in_dim3A_205 = vector.broadcast %jit3A_203 : i32 to vector<2048x1xi32>
      %broadcast_in_dim3A_206 = vector.broadcast %jit3A_204 : i32 to vector<2048x1xi32>
      %select_n3A_207 = arith.select %ge3A_202, %broadcast_in_dim3A_205, %broadcast_in_dim3A_206 : vector<2048x1xi1>, vector<2048x1xi32>
      %reduce_sum3A_208 = vector.shape_cast %select_n3A_207 : vector<2048x1xi32> to vector<1x2048x1xi32>
      %reduce_sum3A_209 = arith.constant dense<0> : vector<1xi32>
      %reduce_sum3A_210 = vector.multi_reduction <add>, %reduce_sum3A_208, %reduce_sum3A_209 [1, 2] : vector<1x2048x1xi32> to vector<1xi32>
      %reduce_sum3A_211 = vector.shape_cast %reduce_sum3A_210 : vector<1xi32> to vector<1x1x1xi32>
      %reduce_sum3A_212 = vector.extract %reduce_sum3A_211[0, 0, 0] : i32 from vector<1x1x1xi32>
      %ge3A_213 = arith.constant 1100 : i32
      %ge3A_214 = arith.cmpi sge, %reduce_sum3A_212, %ge3A_213 : i32
      %select_n3A_215 = arith.select %ge3A_214, %or3A_201, %scan3A_197 : i32
      scf.yield %select_n3A_215 : i32
    }
    %scan3A_128 = arith.constant 32 : i32
    %gt3A_129 = vector.broadcast %scan3A_127 : i32 to vector<2048x1xi32>
    %gt3A_130 = arith.cmpi ugt, %select_n3A_122, %gt3A_129 : vector<2048x1xi32>
    %jit3A = arith.constant 1.000000e+00 : f32
    %jit3A_131 = arith.constant 0.000000e+00 : f32
    %broadcast_in_dim3A_132 = vector.broadcast %jit3A : f32 to vector<2048x1xf32>
    %broadcast_in_dim3A_133 = vector.broadcast %jit3A_131 : f32 to vector<2048x1xf32>
    %select_n3A_134 = arith.select %gt3A_130, %broadcast_in_dim3A_132, %broadcast_in_dim3A_133 : vector<2048x1xi1>, vector<2048x1xf32>
    %get3A_135 = arith.constant 0 : index
    %get3A_136 = arith.constant 0 : index
    %get3A_137 = vector.load %arg3[%get3A_135, %get3A_136] : memref<1x8xf32, #tpu.memory_space<vmem>>, vector<1x8xf32>
    %get3A_138 = arith.constant 0 : index
    %get3A_139 = arith.constant 0 : index
    %get3A_140 = vector.load %arg2[%get3A_138, %get3A_139] : memref<768x8xf32, #tpu.memory_space<vmem>>, vector<768x8xf32>
    %get3A_141 = arith.constant 0 : index
    %get3A_142 = arith.constant 0 : index
    %get3A_143 = vector.load %arg6[%get3A_141, %get3A_142] : memref<2048x768xf32, #tpu.memory_space<vmem>>, vector<2048x256xf32>
    %mul3A_144 = vector.broadcast %select_n3A_134 : vector<2048x1xf32> to vector<2048x256xf32>
    %mul3A_145 = arith.mulf %get3A_143, %mul3A_144 : vector<2048x256xf32>
    %swap3A_146 = arith.constant 0 : index
    %swap3A_147 = arith.constant 0 : index
    %swap3A_148 = vector.load %arg4[%swap3A_146, %swap3A_147] : memref<2048x768xf32, #tpu.memory_space<vmem>>, vector<2048x256xf32>
    tpu.vector_store %arg4[%swap3A_146, %swap3A_147], %mul3A_145 {strides = array<i32>} : memref<2048x768xf32, #tpu.memory_space<vmem>>, vector<2048x256xf32>,
    %slice3A_149 = vector.extract_strided_slice %get3A_140 {offsets = [0, 0], sizes = [256, 8], strides = [1, 1]} : vector<768x8xf32> to vector<256x8xf32>
    %dot_general3A_150 = arith.constant dense<0.000000e+00> : vector<2048x8xf32>
    %dot_general3A_151 = tpu.matmul %mul3A_145, %slice3A_149, %dot_general3A_150 {dimension_numbers = #tpu.dot_dimension_numbers<[1], [0], [0], [1], [0, 0, 1, 1], [], []>, transpose_lhs_hint = false} : vector<2048x256xf32>, vector<256x8xf32>, vector<2048x8xf32> -> vector<2048x8xf32>
    %add3A_152 = vector.broadcast %get3A_137 : vector<1x8xf32> to vector<2048x8xf32>
    %add3A_153 = arith.addf %add3A_152, %dot_general3A_151 : vector<2048x8xf32>
    %get3A_154 = arith.constant 0 : index
    %get3A_155 = arith.constant 256 : index
    %get3A_156 = vector.load %arg6[%get3A_154, %get3A_155] : memref<2048x768xf32, #tpu.memory_space<vmem>>, vector<2048x256xf32>
    %mul3A_157 = vector.broadcast %select_n3A_134 : vector<2048x1xf32> to vector<2048x256xf32>
    %mul3A_158 = arith.mulf %get3A_156, %mul3A_157 : vector<2048x256xf32>
    %swap3A_159 = arith.constant 0 : index
    %swap3A_160 = arith.constant 256 : index
    %swap3A_161 = vector.load %arg4[%swap3A_159, %swap3A_160] : memref<2048x768xf32, #tpu.memory_space<vmem>>, vector<2048x256xf32>
    tpu.vector_store %arg4[%swap3A_159, %swap3A_160], %mul3A_158 {strides = array<i32>} : memref<2048x768xf32, #tpu.memory_space<vmem>>, vector<2048x256xf32>,
    %slice3A_162 = vector.extract_strided_slice %get3A_140 {offsets = [256, 0], sizes = [256, 8], strides = [1, 1]} : vector<768x8xf32> to vector<256x8xf32>
    %dot_general3A_163 = arith.constant dense<0.000000e+00> : vector<2048x8xf32>
    %dot_general3A_164 = tpu.matmul %mul3A_158, %slice3A_162, %dot_general3A_163 {dimension_numbers = #tpu.dot_dimension_numbers<[1], [0], [0], [1], [0, 0, 1, 1], [], []>, transpose_lhs_hint = false} : vector<2048x256xf32>, vector<256x8xf32>, vector<2048x8xf32> -> vector<2048x8xf32>
    %add3A_165 = arith.addf %add3A_153, %dot_general3A_164 : vector<2048x8xf32>
    %get3A_166 = arith.constant 0 : index
    %get3A_167 = arith.constant 512 : index
    %get3A_168 = vector.load %arg6[%get3A_166, %get3A_167] : memref<2048x768xf32, #tpu.memory_space<vmem>>, vector<2048x256xf32>
    %mul3A_169 = vector.broadcast %select_n3A_134 : vector<2048x1xf32> to vector<2048x256xf32>
    %mul3A_170 = arith.mulf %get3A_168, %mul3A_169 : vector<2048x256xf32>
    %swap3A_171 = arith.constant 0 : index
    %swap3A_172 = arith.constant 512 : index
    %swap3A_173 = vector.load %arg4[%swap3A_171, %swap3A_172] : memref<2048x768xf32, #tpu.memory_space<vmem>>, vector<2048x256xf32>
    tpu.vector_store %arg4[%swap3A_171, %swap3A_172], %mul3A_170 {strides = array<i32>} : memref<2048x768xf32, #tpu.memory_space<vmem>>, vector<2048x256xf32>,
    %slice3A_174 = vector.extract_strided_slice %get3A_140 {offsets = [512, 0], sizes = [256, 8], strides = [1, 1]} : vector<768x8xf32> to vector<256x8xf32>
    %dot_general3A_175 = arith.constant dense<0.000000e+00> : vector<2048x8xf32>
    %dot_general3A_176 = tpu.matmul %mul3A_170, %slice3A_174, %dot_general3A_175 {dimension_numbers = #tpu.dot_dimension_numbers<[1], [0], [0], [1], [0, 0, 1, 1], [], []>, transpose_lhs_hint = false} : vector<2048x256xf32>, vector<256x8xf32>, vector<2048x8xf32> -> vector<2048x8xf32>
    %add3A_177 = arith.addf %add3A_165, %dot_general3A_176 : vector<2048x8xf32>
    %iota3A = tpu.iota {dimensions = array<i32: 1>} : vector<2048x8xi32>
    %broadcast_in_dim3A_178 = arith.constant 0 : i32
    %broadcast_in_dim3A_179 = vector.broadcast %broadcast_in_dim3A_178 : i32 to vector<2048x8xi32>
    %scan3A_180 = arith.constant 0 : i32
    %scan3A_181 = arith.constant 8 : i32
    %scan3A_182 = arith.addi %scan3A_180, %scan3A_181 : i32
    %scan3A_183 = arith.constant 1 : i32
    %scan3A_184 = scf.for %scan3A_196 = %scan3A_180 to %scan3A_182 step %scan3A_183 iter_args(%scan3A_197 = %broadcast_in_dim3A_179) -> (vector<2048x8xi32>)  : i32 {
      %eq3A = vector.broadcast %scan3A_196 : i32 to vector<2048x8xi32>
      %eq3A_198 = arith.cmpi eq, %iota3A, %eq3A : vector<2048x8xi32>
      %jit3A_199 = arith.constant 1.000000e+00 : f32
      %jit3A_200 = arith.constant 0.000000e+00 : f32
      %broadcast_in_dim3A_201 = vector.broadcast %jit3A_199 : f32 to vector<2048x8xf32>
      %broadcast_in_dim3A_202 = vector.broadcast %jit3A_200 : f32 to vector<2048x8xf32>
      %select_n3A_203 = arith.select %eq3A_198, %broadcast_in_dim3A_201, %broadcast_in_dim3A_202 : vector<2048x8xi1>, vector<2048x8xf32>
      %mul3A_204 = arith.mulf %add3A_177, %select_n3A_203 : vector<2048x8xf32>
      %reduce_sum3A_205 = arith.constant dense<0.000000e+00> : vector<2048xf32>
      %reduce_sum3A_206 = vector.multi_reduction <add>, %mul3A_204, %reduce_sum3A_205 [1] : vector<2048x8xf32> to vector<2048xf32>
      %broadcast_in_dim3A_207 = vector.shape_cast %reduce_sum3A_206 : vector<2048xf32> to vector<2048x1xf32>
      %gt3A_208 = vector.broadcast %broadcast_in_dim3A_207 : vector<2048x1xf32> to vector<2048x8xf32>
      %gt3A_209 = arith.cmpf ogt, %gt3A_208, %add3A_177 : vector<2048x8xf32>
      %jit3A_210 = arith.constant 1 : i32
      %jit3A_211 = arith.constant 0 : i32
      %broadcast_in_dim3A_212 = vector.broadcast %jit3A_210 : i32 to vector<2048x8xi32>
      %broadcast_in_dim3A_213 = vector.broadcast %jit3A_211 : i32 to vector<2048x8xi32>
      %select_n3A_214 = arith.select %gt3A_209, %broadcast_in_dim3A_212, %broadcast_in_dim3A_213 : vector<2048x8xi1>, vector<2048x8xi32>
      %add3A_215 = arith.addi %scan3A_197, %select_n3A_214 : vector<2048x8xi32>
      %eq3A_216 = vector.broadcast %broadcast_in_dim3A_207 : vector<2048x1xf32> to vector<2048x8xf32>
      %eq3A_217 = arith.cmpf oeq, %eq3A_216, %add3A_177 : vector<2048x8xf32>
      %lt3A_218 = vector.broadcast %scan3A_196 : i32 to vector<2048x8xi32>
      %lt3A_219 = arith.cmpi slt, %lt3A_218, %iota3A : vector<2048x8xi32>
      %and3A = arith.andi %eq3A_217, %lt3A_219 : vector<2048x8xi1>
      %jit3A_220 = arith.constant 1 : i32
      %jit3A_221 = arith.constant 0 : i32
      %broadcast_in_dim3A_222 = vector.broadcast %jit3A_220 : i32 to vector<2048x8xi32>
      %broadcast_in_dim3A_223 = vector.broadcast %jit3A_221 : i32 to vector<2048x8xi32>
      %select_n3A_224 = arith.select %and3A, %broadcast_in_dim3A_222, %broadcast_in_dim3A_223 : vector<2048x8xi1>, vector<2048x8xi32>
      %add3A_225 = arith.addi %add3A_215, %select_n3A_224 : vector<2048x8xi32>
      scf.yield %add3A_225 : vector<2048x8xi32>
    }
    %scan3A_185 = arith.constant 8 : i32
    %lt3A = arith.constant 6 : i32
    %lt3A_186 = vector.broadcast %lt3A : i32 to vector<2048x8xi32>
    %lt3A_187 = arith.cmpi slt, %scan3A_184, %lt3A_186 : vector<2048x8xi32>
    %jit3A_188 = arith.constant 1.000000e+00 : f32
    %jit3A_189 = arith.constant 0.000000e+00 : f32
    %broadcast_in_dim3A_190 = vector.broadcast %jit3A_188 : f32 to vector<2048x8xf32>
    %broadcast_in_dim3A_191 = vector.broadcast %jit3A_189 : f32 to vector<2048x8xf32>
    %select_n3A_192 = arith.select %lt3A_187, %broadcast_in_dim3A_190, %broadcast_in_dim3A_191 : vector<2048x8xi1>, vector<2048x8xf32>
    %swap3A_193 = arith.constant 0 : index
    %swap3A_194 = arith.constant 0 : index
    %swap3A_195 = vector.load %arg5[%swap3A_193, %swap3A_194] : memref<2048x8xf32, #tpu.memory_space<vmem>>, vector<2048x8xf32>
    tpu.vector_store %arg5[%swap3A_193, %swap3A_194], %select_n3A_192 {strides = array<i32>} : memref<2048x8xf32, #tpu.memory_space<vmem>>, vector<2048x8xf32>,
    return
  }
}

module attributes {stable_mosaic.version = 14 : i64} {
  func.func @_expert_body(%arg0: i32, %arg1: memref<2048x768xf32, #tpu.memory_space<vmem>>, %arg2: memref<2048x8xf32, #tpu.memory_space<vmem>>, %arg3: memref<8x768x256xf32, #tpu.memory_space<vmem>>, %arg4: memref<8x1x256xf32, #tpu.memory_space<vmem>>, %arg5: memref<2048x256xf32, #tpu.memory_space<vmem>>) attributes {dimension_semantics = [#tpu.dimension_semantics<arbitrary>], iteration_bounds = array<i64: 3>, scalar_prefetch = 0 : i64, scratch_operands = 0 : i64, tpu.core_type = #tpu.core_type<tc>, window_params = [{pipeline_mode = #tpu.pipeline_mode<synchronous>, transform_indices = @transform_0, window_bounds = array<i64: 2048, 768>}, {pipeline_mode = #tpu.pipeline_mode<synchronous>, transform_indices = @transform_1, window_bounds = array<i64: 2048, 8>}, {transform_indices = @transform_2, window_bounds = array<i64: 8, 768, 256>}, {transform_indices = @transform_3, window_bounds = array<i64: 8, 1, 256>}, {transform_indices = @transform_4, window_bounds = array<i64: 2048, 256>}]} {
    %get3A = arith.constant 0 : index
    %get3A_0 = arith.constant 0 : index
    %get3A_1 = vector.load %arg2[%get3A, %get3A_0] : memref<2048x8xf32, #tpu.memory_space<vmem>>, vector<2048x8xf32>
    %iota3A = tpu.iota {dimensions = array<i32: 1>} : vector<2048x8xi32>
    %get3A_2 = arith.constant 0 : index
    %get3A_3 = arith.constant 0 : index
    %get3A_4 = vector.load %arg1[%get3A_2, %get3A_3] : memref<2048x768xf32, #tpu.memory_space<vmem>>, vector<2048x768xf32>
    %broadcast_in_dim3A = arith.constant 0.000000e+00 : f32
    %broadcast_in_dim3A_5 = vector.broadcast %broadcast_in_dim3A : f32 to vector<2048x256xf32>
    %get3A_6 = arith.constant 0 : index
    %get3A_7 = arith.constant 0 : index
    %get3A_8 = arith.constant 0 : index
    %get3A_9 = vector.load %arg3[%get3A_6, %get3A_7, %get3A_8] : memref<8x768x256xf32, #tpu.memory_space<vmem>>, vector<1x768x256xf32>
    %get3A_10 = vector.shape_cast %get3A_9 : vector<1x768x256xf32> to vector<768x256xf32>
    %slice3A = vector.extract_strided_slice %get3A_4 {offsets = [0, 0], sizes = [2048, 256], strides = [1, 1]} : vector<2048x768xf32> to vector<2048x256xf32>
    %slice3A_11 = vector.extract_strided_slice %get3A_10 {offsets = [0, 0], sizes = [256, 256], strides = [1, 1]} : vector<768x256xf32> to vector<256x256xf32>
    %dot_general3A = arith.constant dense<0.000000e+00> : vector<2048x256xf32>
    %dot_general3A_12 = tpu.matmul %slice3A, %slice3A_11, %dot_general3A {dimension_numbers = #tpu.dot_dimension_numbers<[1], [0], [0], [1], [0, 0, 1, 1], [], []>, transpose_lhs_hint = false} : vector<2048x256xf32>, vector<256x256xf32>, vector<2048x256xf32> -> vector<2048x256xf32>
    %slice3A_13 = vector.extract_strided_slice %get3A_4 {offsets = [0, 256], sizes = [2048, 256], strides = [1, 1]} : vector<2048x768xf32> to vector<2048x256xf32>
    %slice3A_14 = vector.extract_strided_slice %get3A_10 {offsets = [256, 0], sizes = [256, 256], strides = [1, 1]} : vector<768x256xf32> to vector<256x256xf32>
    %dot_general3A_15 = arith.constant dense<0.000000e+00> : vector<2048x256xf32>
    %dot_general3A_16 = tpu.matmul %slice3A_13, %slice3A_14, %dot_general3A_15 {dimension_numbers = #tpu.dot_dimension_numbers<[1], [0], [0], [1], [0, 0, 1, 1], [], []>, transpose_lhs_hint = false} : vector<2048x256xf32>, vector<256x256xf32>, vector<2048x256xf32> -> vector<2048x256xf32>
    %add3A = arith.addf %dot_general3A_12, %dot_general3A_16 : vector<2048x256xf32>
    %slice3A_17 = vector.extract_strided_slice %get3A_4 {offsets = [0, 512], sizes = [2048, 256], strides = [1, 1]} : vector<2048x768xf32> to vector<2048x256xf32>
    %slice3A_18 = vector.extract_strided_slice %get3A_10 {offsets = [512, 0], sizes = [256, 256], strides = [1, 1]} : vector<768x256xf32> to vector<256x256xf32>
    %dot_general3A_19 = arith.constant dense<0.000000e+00> : vector<2048x256xf32>
    %dot_general3A_20 = tpu.matmul %slice3A_17, %slice3A_18, %dot_general3A_19 {dimension_numbers = #tpu.dot_dimension_numbers<[1], [0], [0], [1], [0, 0, 1, 1], [], []>, transpose_lhs_hint = false} : vector<2048x256xf32>, vector<256x256xf32>, vector<2048x256xf32> -> vector<2048x256xf32>
    %add3A_21 = arith.addf %add3A, %dot_general3A_20 : vector<2048x256xf32>
    %get3A_22 = arith.constant 0 : index
    %get3A_23 = arith.constant 0 : index
    %get3A_24 = arith.constant 0 : index
    %get3A_25 = vector.load %arg4[%get3A_22, %get3A_23, %get3A_24] : memref<8x1x256xf32, #tpu.memory_space<vmem>>, vector<1x1x256xf32>
    %get3A_26 = vector.shape_cast %get3A_25 : vector<1x1x256xf32> to vector<1x256xf32>
    %add3A_27 = vector.broadcast %get3A_26 : vector<1x256xf32> to vector<2048x256xf32>
    %add3A_28 = arith.addf %add3A_21, %add3A_27 : vector<2048x256xf32>
    %eq3A = arith.constant 0 : i32
    %eq3A_29 = vector.broadcast %eq3A : i32 to vector<2048x8xi32>
    %eq3A_30 = arith.cmpi eq, %iota3A, %eq3A_29 : vector<2048x8xi32>
    %jit3A = arith.constant 0.000000e+00 : f32
    %broadcast_in_dim3A_31 = vector.broadcast %jit3A : f32 to vector<2048x8xf32>
    %select_n3A = arith.select %eq3A_30, %get3A_1, %broadcast_in_dim3A_31 : vector<2048x8xi1>, vector<2048x8xf32>
    %reduce_sum3A = arith.constant dense<0.000000e+00> : vector<2048xf32>
    %reduce_sum3A_32 = vector.multi_reduction <add>, %select_n3A, %reduce_sum3A [1] : vector<2048x8xf32> to vector<2048xf32>
    %broadcast_in_dim3A_33 = vector.shape_cast %reduce_sum3A_32 : vector<2048xf32> to vector<2048x1xf32>
    %mul3A = vector.broadcast %broadcast_in_dim3A_33 : vector<2048x1xf32> to vector<2048x256xf32>
    %mul3A_34 = arith.mulf %mul3A, %add3A_28 : vector<2048x256xf32>
    %add3A_35 = arith.addf %broadcast_in_dim3A_5, %mul3A_34 : vector<2048x256xf32>
    %get3A_36 = arith.constant 1 : index
    %get3A_37 = arith.constant 0 : index
    %get3A_38 = arith.constant 0 : index
    %get3A_39 = vector.load %arg3[%get3A_36, %get3A_37, %get3A_38] : memref<8x768x256xf32, #tpu.memory_space<vmem>>, vector<1x768x256xf32>
    %get3A_40 = vector.shape_cast %get3A_39 : vector<1x768x256xf32> to vector<768x256xf32>
    %slice3A_41 = vector.extract_strided_slice %get3A_4 {offsets = [0, 0], sizes = [2048, 256], strides = [1, 1]} : vector<2048x768xf32> to vector<2048x256xf32>
    %slice3A_42 = vector.extract_strided_slice %get3A_40 {offsets = [0, 0], sizes = [256, 256], strides = [1, 1]} : vector<768x256xf32> to vector<256x256xf32>
    %dot_general3A_43 = arith.constant dense<0.000000e+00> : vector<2048x256xf32>
    %dot_general3A_44 = tpu.matmul %slice3A_41, %slice3A_42, %dot_general3A_43 {dimension_numbers = #tpu.dot_dimension_numbers<[1], [0], [0], [1], [0, 0, 1, 1], [], []>, transpose_lhs_hint = false} : vector<2048x256xf32>, vector<256x256xf32>, vector<2048x256xf32> -> vector<2048x256xf32>
    %slice3A_45 = vector.extract_strided_slice %get3A_4 {offsets = [0, 256], sizes = [2048, 256], strides = [1, 1]} : vector<2048x768xf32> to vector<2048x256xf32>
    %slice3A_46 = vector.extract_strided_slice %get3A_40 {offsets = [256, 0], sizes = [256, 256], strides = [1, 1]} : vector<768x256xf32> to vector<256x256xf32>
    %dot_general3A_47 = arith.constant dense<0.000000e+00> : vector<2048x256xf32>
    %dot_general3A_48 = tpu.matmul %slice3A_45, %slice3A_46, %dot_general3A_47 {dimension_numbers = #tpu.dot_dimension_numbers<[1], [0], [0], [1], [0, 0, 1, 1], [], []>, transpose_lhs_hint = false} : vector<2048x256xf32>, vector<256x256xf32>, vector<2048x256xf32> -> vector<2048x256xf32>
    %add3A_49 = arith.addf %dot_general3A_44, %dot_general3A_48 : vector<2048x256xf32>
    %slice3A_50 = vector.extract_strided_slice %get3A_4 {offsets = [0, 512], sizes = [2048, 256], strides = [1, 1]} : vector<2048x768xf32> to vector<2048x256xf32>
    %slice3A_51 = vector.extract_strided_slice %get3A_40 {offsets = [512, 0], sizes = [256, 256], strides = [1, 1]} : vector<768x256xf32> to vector<256x256xf32>
    %dot_general3A_52 = arith.constant dense<0.000000e+00> : vector<2048x256xf32>
    %dot_general3A_53 = tpu.matmul %slice3A_50, %slice3A_51, %dot_general3A_52 {dimension_numbers = #tpu.dot_dimension_numbers<[1], [0], [0], [1], [0, 0, 1, 1], [], []>, transpose_lhs_hint = false} : vector<2048x256xf32>, vector<256x256xf32>, vector<2048x256xf32> -> vector<2048x256xf32>
    %add3A_54 = arith.addf %add3A_49, %dot_general3A_53 : vector<2048x256xf32>
    %get3A_55 = arith.constant 1 : index
    %get3A_56 = arith.constant 0 : index
    %get3A_57 = arith.constant 0 : index
    %get3A_58 = vector.load %arg4[%get3A_55, %get3A_56, %get3A_57] : memref<8x1x256xf32, #tpu.memory_space<vmem>>, vector<1x1x256xf32>
    %get3A_59 = vector.shape_cast %get3A_58 : vector<1x1x256xf32> to vector<1x256xf32>
    %add3A_60 = vector.broadcast %get3A_59 : vector<1x256xf32> to vector<2048x256xf32>
    %add3A_61 = arith.addf %add3A_54, %add3A_60 : vector<2048x256xf32>
    %eq3A_62 = arith.constant 1 : i32
    %eq3A_63 = vector.broadcast %eq3A_62 : i32 to vector<2048x8xi32>
    %eq3A_64 = arith.cmpi eq, %iota3A, %eq3A_63 : vector<2048x8xi32>
    %jit3A_65 = arith.constant 0.000000e+00 : f32
    %broadcast_in_dim3A_66 = vector.broadcast %jit3A_65 : f32 to vector<2048x8xf32>
    %select_n3A_67 = arith.select %eq3A_64, %get3A_1, %broadcast_in_dim3A_66 : vector<2048x8xi1>, vector<2048x8xf32>
    %reduce_sum3A_68 = arith.constant dense<0.000000e+00> : vector<2048xf32>
    %reduce_sum3A_69 = vector.multi_reduction <add>, %select_n3A_67, %reduce_sum3A_68 [1] : vector<2048x8xf32> to vector<2048xf32>
    %broadcast_in_dim3A_70 = vector.shape_cast %reduce_sum3A_69 : vector<2048xf32> to vector<2048x1xf32>
    %mul3A_71 = vector.broadcast %broadcast_in_dim3A_70 : vector<2048x1xf32> to vector<2048x256xf32>
    %mul3A_72 = arith.mulf %mul3A_71, %add3A_61 : vector<2048x256xf32>
    %add3A_73 = arith.addf %add3A_35, %mul3A_72 : vector<2048x256xf32>
    %get3A_74 = arith.constant 2 : index
    %get3A_75 = arith.constant 0 : index
    %get3A_76 = arith.constant 0 : index
    %get3A_77 = vector.load %arg3[%get3A_74, %get3A_75, %get3A_76] : memref<8x768x256xf32, #tpu.memory_space<vmem>>, vector<1x768x256xf32>
    %get3A_78 = vector.shape_cast %get3A_77 : vector<1x768x256xf32> to vector<768x256xf32>
    %slice3A_79 = vector.extract_strided_slice %get3A_4 {offsets = [0, 0], sizes = [2048, 256], strides = [1, 1]} : vector<2048x768xf32> to vector<2048x256xf32>
    %slice3A_80 = vector.extract_strided_slice %get3A_78 {offsets = [0, 0], sizes = [256, 256], strides = [1, 1]} : vector<768x256xf32> to vector<256x256xf32>
    %dot_general3A_81 = arith.constant dense<0.000000e+00> : vector<2048x256xf32>
    %dot_general3A_82 = tpu.matmul %slice3A_79, %slice3A_80, %dot_general3A_81 {dimension_numbers = #tpu.dot_dimension_numbers<[1], [0], [0], [1], [0, 0, 1, 1], [], []>, transpose_lhs_hint = false} : vector<2048x256xf32>, vector<256x256xf32>, vector<2048x256xf32> -> vector<2048x256xf32>
    %slice3A_83 = vector.extract_strided_slice %get3A_4 {offsets = [0, 256], sizes = [2048, 256], strides = [1, 1]} : vector<2048x768xf32> to vector<2048x256xf32>
    %slice3A_84 = vector.extract_strided_slice %get3A_78 {offsets = [256, 0], sizes = [256, 256], strides = [1, 1]} : vector<768x256xf32> to vector<256x256xf32>
    %dot_general3A_85 = arith.constant dense<0.000000e+00> : vector<2048x256xf32>
    %dot_general3A_86 = tpu.matmul %slice3A_83, %slice3A_84, %dot_general3A_85 {dimension_numbers = #tpu.dot_dimension_numbers<[1], [0], [0], [1], [0, 0, 1, 1], [], []>, transpose_lhs_hint = false} : vector<2048x256xf32>, vector<256x256xf32>, vector<2048x256xf32> -> vector<2048x256xf32>
    %add3A_87 = arith.addf %dot_general3A_82, %dot_general3A_86 : vector<2048x256xf32>
    %slice3A_88 = vector.extract_strided_slice %get3A_4 {offsets = [0, 512], sizes = [2048, 256], strides = [1, 1]} : vector<2048x768xf32> to vector<2048x256xf32>
    %slice3A_89 = vector.extract_strided_slice %get3A_78 {offsets = [512, 0], sizes = [256, 256], strides = [1, 1]} : vector<768x256xf32> to vector<256x256xf32>
    %dot_general3A_90 = arith.constant dense<0.000000e+00> : vector<2048x256xf32>
    %dot_general3A_91 = tpu.matmul %slice3A_88, %slice3A_89, %dot_general3A_90 {dimension_numbers = #tpu.dot_dimension_numbers<[1], [0], [0], [1], [0, 0, 1, 1], [], []>, transpose_lhs_hint = false} : vector<2048x256xf32>, vector<256x256xf32>, vector<2048x256xf32> -> vector<2048x256xf32>
    %add3A_92 = arith.addf %add3A_87, %dot_general3A_91 : vector<2048x256xf32>
    %get3A_93 = arith.constant 2 : index
    %get3A_94 = arith.constant 0 : index
    %get3A_95 = arith.constant 0 : index
    %get3A_96 = vector.load %arg4[%get3A_93, %get3A_94, %get3A_95] : memref<8x1x256xf32, #tpu.memory_space<vmem>>, vector<1x1x256xf32>
    %get3A_97 = vector.shape_cast %get3A_96 : vector<1x1x256xf32> to vector<1x256xf32>
    %add3A_98 = vector.broadcast %get3A_97 : vector<1x256xf32> to vector<2048x256xf32>
    %add3A_99 = arith.addf %add3A_92, %add3A_98 : vector<2048x256xf32>
    %eq3A_100 = arith.constant 2 : i32
    %eq3A_101 = vector.broadcast %eq3A_100 : i32 to vector<2048x8xi32>
    %eq3A_102 = arith.cmpi eq, %iota3A, %eq3A_101 : vector<2048x8xi32>
    %jit3A_103 = arith.constant 0.000000e+00 : f32
    %broadcast_in_dim3A_104 = vector.broadcast %jit3A_103 : f32 to vector<2048x8xf32>
    %select_n3A_105 = arith.select %eq3A_102, %get3A_1, %broadcast_in_dim3A_104 : vector<2048x8xi1>, vector<2048x8xf32>
    %reduce_sum3A_106 = arith.constant dense<0.000000e+00> : vector<2048xf32>
    %reduce_sum3A_107 = vector.multi_reduction <add>, %select_n3A_105, %reduce_sum3A_106 [1] : vector<2048x8xf32> to vector<2048xf32>
    %broadcast_in_dim3A_108 = vector.shape_cast %reduce_sum3A_107 : vector<2048xf32> to vector<2048x1xf32>
    %mul3A_109 = vector.broadcast %broadcast_in_dim3A_108 : vector<2048x1xf32> to vector<2048x256xf32>
    %mul3A_110 = arith.mulf %mul3A_109, %add3A_99 : vector<2048x256xf32>
    %add3A_111 = arith.addf %add3A_73, %mul3A_110 : vector<2048x256xf32>
    %get3A_112 = arith.constant 3 : index
    %get3A_113 = arith.constant 0 : index
    %get3A_114 = arith.constant 0 : index
    %get3A_115 = vector.load %arg3[%get3A_112, %get3A_113, %get3A_114] : memref<8x768x256xf32, #tpu.memory_space<vmem>>, vector<1x768x256xf32>
    %get3A_116 = vector.shape_cast %get3A_115 : vector<1x768x256xf32> to vector<768x256xf32>
    %slice3A_117 = vector.extract_strided_slice %get3A_4 {offsets = [0, 0], sizes = [2048, 256], strides = [1, 1]} : vector<2048x768xf32> to vector<2048x256xf32>
    %slice3A_118 = vector.extract_strided_slice %get3A_116 {offsets = [0, 0], sizes = [256, 256], strides = [1, 1]} : vector<768x256xf32> to vector<256x256xf32>
    %dot_general3A_119 = arith.constant dense<0.000000e+00> : vector<2048x256xf32>
    %dot_general3A_120 = tpu.matmul %slice3A_117, %slice3A_118, %dot_general3A_119 {dimension_numbers = #tpu.dot_dimension_numbers<[1], [0], [0], [1], [0, 0, 1, 1], [], []>, transpose_lhs_hint = false} : vector<2048x256xf32>, vector<256x256xf32>, vector<2048x256xf32> -> vector<2048x256xf32>
    %slice3A_121 = vector.extract_strided_slice %get3A_4 {offsets = [0, 256], sizes = [2048, 256], strides = [1, 1]} : vector<2048x768xf32> to vector<2048x256xf32>
    %slice3A_122 = vector.extract_strided_slice %get3A_116 {offsets = [256, 0], sizes = [256, 256], strides = [1, 1]} : vector<768x256xf32> to vector<256x256xf32>
    %dot_general3A_123 = arith.constant dense<0.000000e+00> : vector<2048x256xf32>
    %dot_general3A_124 = tpu.matmul %slice3A_121, %slice3A_122, %dot_general3A_123 {dimension_numbers = #tpu.dot_dimension_numbers<[1], [0], [0], [1], [0, 0, 1, 1], [], []>, transpose_lhs_hint = false} : vector<2048x256xf32>, vector<256x256xf32>, vector<2048x256xf32> -> vector<2048x256xf32>
    %add3A_125 = arith.addf %dot_general3A_120, %dot_general3A_124 : vector<2048x256xf32>
    %slice3A_126 = vector.extract_strided_slice %get3A_4 {offsets = [0, 512], sizes = [2048, 256], strides = [1, 1]} : vector<2048x768xf32> to vector<2048x256xf32>
    %slice3A_127 = vector.extract_strided_slice %get3A_116 {offsets = [512, 0], sizes = [256, 256], strides = [1, 1]} : vector<768x256xf32> to vector<256x256xf32>
    %dot_general3A_128 = arith.constant dense<0.000000e+00> : vector<2048x256xf32>
    %dot_general3A_129 = tpu.matmul %slice3A_126, %slice3A_127, %dot_general3A_128 {dimension_numbers = #tpu.dot_dimension_numbers<[1], [0], [0], [1], [0, 0, 1, 1], [], []>, transpose_lhs_hint = false} : vector<2048x256xf32>, vector<256x256xf32>, vector<2048x256xf32> -> vector<2048x256xf32>
    %add3A_130 = arith.addf %add3A_125, %dot_general3A_129 : vector<2048x256xf32>
    %get3A_131 = arith.constant 3 : index
    %get3A_132 = arith.constant 0 : index
    %get3A_133 = arith.constant 0 : index
    %get3A_134 = vector.load %arg4[%get3A_131, %get3A_132, %get3A_133] : memref<8x1x256xf32, #tpu.memory_space<vmem>>, vector<1x1x256xf32>
    %get3A_135 = vector.shape_cast %get3A_134 : vector<1x1x256xf32> to vector<1x256xf32>
    %add3A_136 = vector.broadcast %get3A_135 : vector<1x256xf32> to vector<2048x256xf32>
    %add3A_137 = arith.addf %add3A_130, %add3A_136 : vector<2048x256xf32>
    %eq3A_138 = arith.constant 3 : i32
    %eq3A_139 = vector.broadcast %eq3A_138 : i32 to vector<2048x8xi32>
    %eq3A_140 = arith.cmpi eq, %iota3A, %eq3A_139 : vector<2048x8xi32>
    %jit3A_141 = arith.constant 0.000000e+00 : f32
    %broadcast_in_dim3A_142 = vector.broadcast %jit3A_141 : f32 to vector<2048x8xf32>
    %select_n3A_143 = arith.select %eq3A_140, %get3A_1, %broadcast_in_dim3A_142 : vector<2048x8xi1>, vector<2048x8xf32>
    %reduce_sum3A_144 = arith.constant dense<0.000000e+00> : vector<2048xf32>
    %reduce_sum3A_145 = vector.multi_reduction <add>, %select_n3A_143, %reduce_sum3A_144 [1] : vector<2048x8xf32> to vector<2048xf32>
    %broadcast_in_dim3A_146 = vector.shape_cast %reduce_sum3A_145 : vector<2048xf32> to vector<2048x1xf32>
    %mul3A_147 = vector.broadcast %broadcast_in_dim3A_146 : vector<2048x1xf32> to vector<2048x256xf32>
    %mul3A_148 = arith.mulf %mul3A_147, %add3A_137 : vector<2048x256xf32>
    %add3A_149 = arith.addf %add3A_111, %mul3A_148 : vector<2048x256xf32>
    %get3A_150 = arith.constant 4 : index
    %get3A_151 = arith.constant 0 : index
    %get3A_152 = arith.constant 0 : index
    %get3A_153 = vector.load %arg3[%get3A_150, %get3A_151, %get3A_152] : memref<8x768x256xf32, #tpu.memory_space<vmem>>, vector<1x768x256xf32>
    %get3A_154 = vector.shape_cast %get3A_153 : vector<1x768x256xf32> to vector<768x256xf32>
    %slice3A_155 = vector.extract_strided_slice %get3A_4 {offsets = [0, 0], sizes = [2048, 256], strides = [1, 1]} : vector<2048x768xf32> to vector<2048x256xf32>
    %slice3A_156 = vector.extract_strided_slice %get3A_154 {offsets = [0, 0], sizes = [256, 256], strides = [1, 1]} : vector<768x256xf32> to vector<256x256xf32>
    %dot_general3A_157 = arith.constant dense<0.000000e+00> : vector<2048x256xf32>
    %dot_general3A_158 = tpu.matmul %slice3A_155, %slice3A_156, %dot_general3A_157 {dimension_numbers = #tpu.dot_dimension_numbers<[1], [0], [0], [1], [0, 0, 1, 1], [], []>, transpose_lhs_hint = false} : vector<2048x256xf32>, vector<256x256xf32>, vector<2048x256xf32> -> vector<2048x256xf32>
    %slice3A_159 = vector.extract_strided_slice %get3A_4 {offsets = [0, 256], sizes = [2048, 256], strides = [1, 1]} : vector<2048x768xf32> to vector<2048x256xf32>
    %slice3A_160 = vector.extract_strided_slice %get3A_154 {offsets = [256, 0], sizes = [256, 256], strides = [1, 1]} : vector<768x256xf32> to vector<256x256xf32>
    %dot_general3A_161 = arith.constant dense<0.000000e+00> : vector<2048x256xf32>
    %dot_general3A_162 = tpu.matmul %slice3A_159, %slice3A_160, %dot_general3A_161 {dimension_numbers = #tpu.dot_dimension_numbers<[1], [0], [0], [1], [0, 0, 1, 1], [], []>, transpose_lhs_hint = false} : vector<2048x256xf32>, vector<256x256xf32>, vector<2048x256xf32> -> vector<2048x256xf32>
    %add3A_163 = arith.addf %dot_general3A_158, %dot_general3A_162 : vector<2048x256xf32>
    %slice3A_164 = vector.extract_strided_slice %get3A_4 {offsets = [0, 512], sizes = [2048, 256], strides = [1, 1]} : vector<2048x768xf32> to vector<2048x256xf32>
    %slice3A_165 = vector.extract_strided_slice %get3A_154 {offsets = [512, 0], sizes = [256, 256], strides = [1, 1]} : vector<768x256xf32> to vector<256x256xf32>
    %dot_general3A_166 = arith.constant dense<0.000000e+00> : vector<2048x256xf32>
    %dot_general3A_167 = tpu.matmul %slice3A_164, %slice3A_165, %dot_general3A_166 {dimension_numbers = #tpu.dot_dimension_numbers<[1], [0], [0], [1], [0, 0, 1, 1], [], []>, transpose_lhs_hint = false} : vector<2048x256xf32>, vector<256x256xf32>, vector<2048x256xf32> -> vector<2048x256xf32>
    %add3A_168 = arith.addf %add3A_163, %dot_general3A_167 : vector<2048x256xf32>
    %get3A_169 = arith.constant 4 : index
    %get3A_170 = arith.constant 0 : index
    %get3A_171 = arith.constant 0 : index
    %get3A_172 = vector.load %arg4[%get3A_169, %get3A_170, %get3A_171] : memref<8x1x256xf32, #tpu.memory_space<vmem>>, vector<1x1x256xf32>
    %get3A_173 = vector.shape_cast %get3A_172 : vector<1x1x256xf32> to vector<1x256xf32>
    %add3A_174 = vector.broadcast %get3A_173 : vector<1x256xf32> to vector<2048x256xf32>
    %add3A_175 = arith.addf %add3A_168, %add3A_174 : vector<2048x256xf32>
    %eq3A_176 = arith.constant 4 : i32
    %eq3A_177 = vector.broadcast %eq3A_176 : i32 to vector<2048x8xi32>
    %eq3A_178 = arith.cmpi eq, %iota3A, %eq3A_177 : vector<2048x8xi32>
    %jit3A_179 = arith.constant 0.000000e+00 : f32
    %broadcast_in_dim3A_180 = vector.broadcast %jit3A_179 : f32 to vector<2048x8xf32>
    %select_n3A_181 = arith.select %eq3A_178, %get3A_1, %broadcast_in_dim3A_180 : vector<2048x8xi1>, vector<2048x8xf32>
    %reduce_sum3A_182 = arith.constant dense<0.000000e+00> : vector<2048xf32>
    %reduce_sum3A_183 = vector.multi_reduction <add>, %select_n3A_181, %reduce_sum3A_182 [1] : vector<2048x8xf32> to vector<2048xf32>
    %broadcast_in_dim3A_184 = vector.shape_cast %reduce_sum3A_183 : vector<2048xf32> to vector<2048x1xf32>
    %mul3A_185 = vector.broadcast %broadcast_in_dim3A_184 : vector<2048x1xf32> to vector<2048x256xf32>
    %mul3A_186 = arith.mulf %mul3A_185, %add3A_175 : vector<2048x256xf32>
    %add3A_187 = arith.addf %add3A_149, %mul3A_186 : vector<2048x256xf32>
    %get3A_188 = arith.constant 5 : index
    %get3A_189 = arith.constant 0 : index
    %get3A_190 = arith.constant 0 : index
    %get3A_191 = vector.load %arg3[%get3A_188, %get3A_189, %get3A_190] : memref<8x768x256xf32, #tpu.memory_space<vmem>>, vector<1x768x256xf32>
    %get3A_192 = vector.shape_cast %get3A_191 : vector<1x768x256xf32> to vector<768x256xf32>
    %slice3A_193 = vector.extract_strided_slice %get3A_4 {offsets = [0, 0], sizes = [2048, 256], strides = [1, 1]} : vector<2048x768xf32> to vector<2048x256xf32>
    %slice3A_194 = vector.extract_strided_slice %get3A_192 {offsets = [0, 0], sizes = [256, 256], strides = [1, 1]} : vector<768x256xf32> to vector<256x256xf32>
    %dot_general3A_195 = arith.constant dense<0.000000e+00> : vector<2048x256xf32>
    %dot_general3A_196 = tpu.matmul %slice3A_193, %slice3A_194, %dot_general3A_195 {dimension_numbers = #tpu.dot_dimension_numbers<[1], [0], [0], [1], [0, 0, 1, 1], [], []>, transpose_lhs_hint = false} : vector<2048x256xf32>, vector<256x256xf32>, vector<2048x256xf32> -> vector<2048x256xf32>
    %slice3A_197 = vector.extract_strided_slice %get3A_4 {offsets = [0, 256], sizes = [2048, 256], strides = [1, 1]} : vector<2048x768xf32> to vector<2048x256xf32>
    %slice3A_198 = vector.extract_strided_slice %get3A_192 {offsets = [256, 0], sizes = [256, 256], strides = [1, 1]} : vector<768x256xf32> to vector<256x256xf32>
    %dot_general3A_199 = arith.constant dense<0.000000e+00> : vector<2048x256xf32>
    %dot_general3A_200 = tpu.matmul %slice3A_197, %slice3A_198, %dot_general3A_199 {dimension_numbers = #tpu.dot_dimension_numbers<[1], [0], [0], [1], [0, 0, 1, 1], [], []>, transpose_lhs_hint = false} : vector<2048x256xf32>, vector<256x256xf32>, vector<2048x256xf32> -> vector<2048x256xf32>
    %add3A_201 = arith.addf %dot_general3A_196, %dot_general3A_200 : vector<2048x256xf32>
    %slice3A_202 = vector.extract_strided_slice %get3A_4 {offsets = [0, 512], sizes = [2048, 256], strides = [1, 1]} : vector<2048x768xf32> to vector<2048x256xf32>
    %slice3A_203 = vector.extract_strided_slice %get3A_192 {offsets = [512, 0], sizes = [256, 256], strides = [1, 1]} : vector<768x256xf32> to vector<256x256xf32>
    %dot_general3A_204 = arith.constant dense<0.000000e+00> : vector<2048x256xf32>
    %dot_general3A_205 = tpu.matmul %slice3A_202, %slice3A_203, %dot_general3A_204 {dimension_numbers = #tpu.dot_dimension_numbers<[1], [0], [0], [1], [0, 0, 1, 1], [], []>, transpose_lhs_hint = false} : vector<2048x256xf32>, vector<256x256xf32>, vector<2048x256xf32> -> vector<2048x256xf32>
    %add3A_206 = arith.addf %add3A_201, %dot_general3A_205 : vector<2048x256xf32>
    %get3A_207 = arith.constant 5 : index
    %get3A_208 = arith.constant 0 : index
    %get3A_209 = arith.constant 0 : index
    %get3A_210 = vector.load %arg4[%get3A_207, %get3A_208, %get3A_209] : memref<8x1x256xf32, #tpu.memory_space<vmem>>, vector<1x1x256xf32>
    %get3A_211 = vector.shape_cast %get3A_210 : vector<1x1x256xf32> to vector<1x256xf32>
    %add3A_212 = vector.broadcast %get3A_211 : vector<1x256xf32> to vector<2048x256xf32>
    %add3A_213 = arith.addf %add3A_206, %add3A_212 : vector<2048x256xf32>
    %eq3A_214 = arith.constant 5 : i32
    %eq3A_215 = vector.broadcast %eq3A_214 : i32 to vector<2048x8xi32>
    %eq3A_216 = arith.cmpi eq, %iota3A, %eq3A_215 : vector<2048x8xi32>
    %jit3A_217 = arith.constant 0.000000e+00 : f32
    %broadcast_in_dim3A_218 = vector.broadcast %jit3A_217 : f32 to vector<2048x8xf32>
    %select_n3A_219 = arith.select %eq3A_216, %get3A_1, %broadcast_in_dim3A_218 : vector<2048x8xi1>, vector<2048x8xf32>
    %reduce_sum3A_220 = arith.constant dense<0.000000e+00> : vector<2048xf32>
    %reduce_sum3A_221 = vector.multi_reduction <add>, %select_n3A_219, %reduce_sum3A_220 [1] : vector<2048x8xf32> to vector<2048xf32>
    %broadcast_in_dim3A_222 = vector.shape_cast %reduce_sum3A_221 : vector<2048xf32> to vector<2048x1xf32>
    %mul3A_223 = vector.broadcast %broadcast_in_dim3A_222 : vector<2048x1xf32> to vector<2048x256xf32>
    %mul3A_224 = arith.mulf %mul3A_223, %add3A_213 : vector<2048x256xf32>
    %add3A_225 = arith.addf %add3A_187, %mul3A_224 : vector<2048x256xf32>
    %get3A_226 = arith.constant 6 : index
    %get3A_227 = arith.constant 0 : index
    %get3A_228 = arith.constant 0 : index
    %get3A_229 = vector.load %arg3[%get3A_226, %get3A_227, %get3A_228] : memref<8x768x256xf32, #tpu.memory_space<vmem>>, vector<1x768x256xf32>
    %get3A_230 = vector.shape_cast %get3A_229 : vector<1x768x256xf32> to vector<768x256xf32>
    %slice3A_231 = vector.extract_strided_slice %get3A_4 {offsets = [0, 0], sizes = [2048, 256], strides = [1, 1]} : vector<2048x768xf32> to vector<2048x256xf32>
    %slice3A_232 = vector.extract_strided_slice %get3A_230 {offsets = [0, 0], sizes = [256, 256], strides = [1, 1]} : vector<768x256xf32> to vector<256x256xf32>
    %dot_general3A_233 = arith.constant dense<0.000000e+00> : vector<2048x256xf32>
    %dot_general3A_234 = tpu.matmul %slice3A_231, %slice3A_232, %dot_general3A_233 {dimension_numbers = #tpu.dot_dimension_numbers<[1], [0], [0], [1], [0, 0, 1, 1], [], []>, transpose_lhs_hint = false} : vector<2048x256xf32>, vector<256x256xf32>, vector<2048x256xf32> -> vector<2048x256xf32>
    %slice3A_235 = vector.extract_strided_slice %get3A_4 {offsets = [0, 256], sizes = [2048, 256], strides = [1, 1]} : vector<2048x768xf32> to vector<2048x256xf32>
    %slice3A_236 = vector.extract_strided_slice %get3A_230 {offsets = [256, 0], sizes = [256, 256], strides = [1, 1]} : vector<768x256xf32> to vector<256x256xf32>
    %dot_general3A_237 = arith.constant dense<0.000000e+00> : vector<2048x256xf32>
    %dot_general3A_238 = tpu.matmul %slice3A_235, %slice3A_236, %dot_general3A_237 {dimension_numbers = #tpu.dot_dimension_numbers<[1], [0], [0], [1], [0, 0, 1, 1], [], []>, transpose_lhs_hint = false} : vector<2048x256xf32>, vector<256x256xf32>, vector<2048x256xf32> -> vector<2048x256xf32>
    %add3A_239 = arith.addf %dot_general3A_234, %dot_general3A_238 : vector<2048x256xf32>
    %slice3A_240 = vector.extract_strided_slice %get3A_4 {offsets = [0, 512], sizes = [2048, 256], strides = [1, 1]} : vector<2048x768xf32> to vector<2048x256xf32>
    %slice3A_241 = vector.extract_strided_slice %get3A_230 {offsets = [512, 0], sizes = [256, 256], strides = [1, 1]} : vector<768x256xf32> to vector<256x256xf32>
    %dot_general3A_242 = arith.constant dense<0.000000e+00> : vector<2048x256xf32>
    %dot_general3A_243 = tpu.matmul %slice3A_240, %slice3A_241, %dot_general3A_242 {dimension_numbers = #tpu.dot_dimension_numbers<[1], [0], [0], [1], [0, 0, 1, 1], [], []>, transpose_lhs_hint = false} : vector<2048x256xf32>, vector<256x256xf32>, vector<2048x256xf32> -> vector<2048x256xf32>
    %add3A_244 = arith.addf %add3A_239, %dot_general3A_243 : vector<2048x256xf32>
    %get3A_245 = arith.constant 6 : index
    %get3A_246 = arith.constant 0 : index
    %get3A_247 = arith.constant 0 : index
    %get3A_248 = vector.load %arg4[%get3A_245, %get3A_246, %get3A_247] : memref<8x1x256xf32, #tpu.memory_space<vmem>>, vector<1x1x256xf32>
    %get3A_249 = vector.shape_cast %get3A_248 : vector<1x1x256xf32> to vector<1x256xf32>
    %add3A_250 = vector.broadcast %get3A_249 : vector<1x256xf32> to vector<2048x256xf32>
    %add3A_251 = arith.addf %add3A_244, %add3A_250 : vector<2048x256xf32>
    %eq3A_252 = arith.constant 6 : i32
    %eq3A_253 = vector.broadcast %eq3A_252 : i32 to vector<2048x8xi32>
    %eq3A_254 = arith.cmpi eq, %iota3A, %eq3A_253 : vector<2048x8xi32>
    %jit3A_255 = arith.constant 0.000000e+00 : f32
    %broadcast_in_dim3A_256 = vector.broadcast %jit3A_255 : f32 to vector<2048x8xf32>
    %select_n3A_257 = arith.select %eq3A_254, %get3A_1, %broadcast_in_dim3A_256 : vector<2048x8xi1>, vector<2048x8xf32>
    %reduce_sum3A_258 = arith.constant dense<0.000000e+00> : vector<2048xf32>
    %reduce_sum3A_259 = vector.multi_reduction <add>, %select_n3A_257, %reduce_sum3A_258 [1] : vector<2048x8xf32> to vector<2048xf32>
    %broadcast_in_dim3A_260 = vector.shape_cast %reduce_sum3A_259 : vector<2048xf32> to vector<2048x1xf32>
    %mul3A_261 = vector.broadcast %broadcast_in_dim3A_260 : vector<2048x1xf32> to vector<2048x256xf32>
    %mul3A_262 = arith.mulf %mul3A_261, %add3A_251 : vector<2048x256xf32>
    %add3A_263 = arith.addf %add3A_225, %mul3A_262 : vector<2048x256xf32>
    %get3A_264 = arith.constant 7 : index
    %get3A_265 = arith.constant 0 : index
    %get3A_266 = arith.constant 0 : index
    %get3A_267 = vector.load %arg3[%get3A_264, %get3A_265, %get3A_266] : memref<8x768x256xf32, #tpu.memory_space<vmem>>, vector<1x768x256xf32>
    %get3A_268 = vector.shape_cast %get3A_267 : vector<1x768x256xf32> to vector<768x256xf32>
    %slice3A_269 = vector.extract_strided_slice %get3A_4 {offsets = [0, 0], sizes = [2048, 256], strides = [1, 1]} : vector<2048x768xf32> to vector<2048x256xf32>
    %slice3A_270 = vector.extract_strided_slice %get3A_268 {offsets = [0, 0], sizes = [256, 256], strides = [1, 1]} : vector<768x256xf32> to vector<256x256xf32>
    %dot_general3A_271 = arith.constant dense<0.000000e+00> : vector<2048x256xf32>
    %dot_general3A_272 = tpu.matmul %slice3A_269, %slice3A_270, %dot_general3A_271 {dimension_numbers = #tpu.dot_dimension_numbers<[1], [0], [0], [1], [0, 0, 1, 1], [], []>, transpose_lhs_hint = false} : vector<2048x256xf32>, vector<256x256xf32>, vector<2048x256xf32> -> vector<2048x256xf32>
    %slice3A_273 = vector.extract_strided_slice %get3A_4 {offsets = [0, 256], sizes = [2048, 256], strides = [1, 1]} : vector<2048x768xf32> to vector<2048x256xf32>
    %slice3A_274 = vector.extract_strided_slice %get3A_268 {offsets = [256, 0], sizes = [256, 256], strides = [1, 1]} : vector<768x256xf32> to vector<256x256xf32>
    %dot_general3A_275 = arith.constant dense<0.000000e+00> : vector<2048x256xf32>
    %dot_general3A_276 = tpu.matmul %slice3A_273, %slice3A_274, %dot_general3A_275 {dimension_numbers = #tpu.dot_dimension_numbers<[1], [0], [0], [1], [0, 0, 1, 1], [], []>, transpose_lhs_hint = false} : vector<2048x256xf32>, vector<256x256xf32>, vector<2048x256xf32> -> vector<2048x256xf32>
    %add3A_277 = arith.addf %dot_general3A_272, %dot_general3A_276 : vector<2048x256xf32>
    %slice3A_278 = vector.extract_strided_slice %get3A_4 {offsets = [0, 512], sizes = [2048, 256], strides = [1, 1]} : vector<2048x768xf32> to vector<2048x256xf32>
    %slice3A_279 = vector.extract_strided_slice %get3A_268 {offsets = [512, 0], sizes = [256, 256], strides = [1, 1]} : vector<768x256xf32> to vector<256x256xf32>
    %dot_general3A_280 = arith.constant dense<0.000000e+00> : vector<2048x256xf32>
    %dot_general3A_281 = tpu.matmul %slice3A_278, %slice3A_279, %dot_general3A_280 {dimension_numbers = #tpu.dot_dimension_numbers<[1], [0], [0], [1], [0, 0, 1, 1], [], []>, transpose_lhs_hint = false} : vector<2048x256xf32>, vector<256x256xf32>, vector<2048x256xf32> -> vector<2048x256xf32>
    %add3A_282 = arith.addf %add3A_277, %dot_general3A_281 : vector<2048x256xf32>
    %get3A_283 = arith.constant 7 : index
    %get3A_284 = arith.constant 0 : index
    %get3A_285 = arith.constant 0 : index
    %get3A_286 = vector.load %arg4[%get3A_283, %get3A_284, %get3A_285] : memref<8x1x256xf32, #tpu.memory_space<vmem>>, vector<1x1x256xf32>
    %get3A_287 = vector.shape_cast %get3A_286 : vector<1x1x256xf32> to vector<1x256xf32>
    %add3A_288 = vector.broadcast %get3A_287 : vector<1x256xf32> to vector<2048x256xf32>
    %add3A_289 = arith.addf %add3A_282, %add3A_288 : vector<2048x256xf32>
    %eq3A_290 = arith.constant 7 : i32
    %eq3A_291 = vector.broadcast %eq3A_290 : i32 to vector<2048x8xi32>
    %eq3A_292 = arith.cmpi eq, %iota3A, %eq3A_291 : vector<2048x8xi32>
    %jit3A_293 = arith.constant 0.000000e+00 : f32
    %broadcast_in_dim3A_294 = vector.broadcast %jit3A_293 : f32 to vector<2048x8xf32>
    %select_n3A_295 = arith.select %eq3A_292, %get3A_1, %broadcast_in_dim3A_294 : vector<2048x8xi1>, vector<2048x8xf32>
    %reduce_sum3A_296 = arith.constant dense<0.000000e+00> : vector<2048xf32>
    %reduce_sum3A_297 = vector.multi_reduction <add>, %select_n3A_295, %reduce_sum3A_296 [1] : vector<2048x8xf32> to vector<2048xf32>
    %broadcast_in_dim3A_298 = vector.shape_cast %reduce_sum3A_297 : vector<2048xf32> to vector<2048x1xf32>
    %mul3A_299 = vector.broadcast %broadcast_in_dim3A_298 : vector<2048x1xf32> to vector<2048x256xf32>
    %mul3A_300 = arith.mulf %mul3A_299, %add3A_289 : vector<2048x256xf32>
    %add3A_301 = arith.addf %add3A_263, %mul3A_300 : vector<2048x256xf32>
    %swap3A = arith.constant 0 : index
    %swap3A_302 = arith.constant 0 : index
    %swap3A_303 = vector.load %arg5[%swap3A, %swap3A_302] : memref<2048x256xf32, #tpu.memory_space<vmem>>, vector<2048x256xf32>
    tpu.vector_store %arg5[%swap3A, %swap3A_302], %add3A_301 {strides = array<i32>} : memref<2048x256xf32, #tpu.memory_space<vmem>>, vector<2048x256xf32>,
    return
  }
  func.func @transform_0(%arg0: i32) -> (i32, i32) {
    %c0_i32 = arith.constant 0 : i32
    %c0_i32_0 = arith.constant 0 : i32
    %c0_i32_1 = arith.constant 0 : i32
    return %c0_i32, %c0_i32_0 : i32, i32
  }
  func.func @transform_1(%arg0: i32) -> (i32, i32) {
    %c0_i32 = arith.constant 0 : i32
    %c0_i32_0 = arith.constant 0 : i32
    %c0_i32_1 = arith.constant 0 : i32
    return %c0_i32, %c0_i32_0 : i32, i32
  }
  func.func @transform_2(%arg0: i32) -> (i32, i32, i32) {
    %c0_i32 = arith.constant 0 : i32
    %c0_i32_0 = arith.constant 0 : i32
    %c0_i32_1 = arith.constant 0 : i32
    return %c0_i32, %c0_i32_0, %arg0 : i32, i32, i32
  }
  func.func @transform_3(%arg0: i32) -> (i32, i32, i32) {
    %c0_i32 = arith.constant 0 : i32
    %c0_i32_0 = arith.constant 0 : i32
    %c0_i32_1 = arith.constant 0 : i32
    return %c0_i32, %c0_i32_0, %arg0 : i32, i32, i32
  }
  func.func @transform_4(%arg0: i32) -> (i32, i32) {
    %c0_i32 = arith.constant 0 : i32
    %c0_i32_0 = arith.constant 0 : i32
    return %c0_i32, %arg0 : i32, i32
  }
}

module attributes {stable_mosaic.version = 14 : i64} {
  func.func @_head_body(%arg0: i32, %arg1: memref<2048x768xf32, #tpu.memory_space<vmem>>, %arg2: memref<1x768xf32, #tpu.memory_space<vmem>>, %arg3: memref<1x768xf32, #tpu.memory_space<vmem>>, %arg4: memref<768x256xf32, #tpu.memory_space<vmem>>, %arg5: memref<1x256xf32, #tpu.memory_space<vmem>>, %arg6: memref<2048x256xf32, #tpu.memory_space<vmem>>, %arg7: memref<2048x768xf32, #tpu.memory_space<vmem>>) attributes {dimension_semantics = [#tpu.dimension_semantics<arbitrary>], iteration_bounds = array<i64: 4>, scalar_prefetch = 0 : i64, scratch_operands = 1 : i64, tpu.core_type = #tpu.core_type<tc>, window_params = [{pipeline_mode = #tpu.pipeline_mode<synchronous>, transform_indices = @transform_0, window_bounds = array<i64: 2048, 768>}, {pipeline_mode = #tpu.pipeline_mode<synchronous>, transform_indices = @transform_1, window_bounds = array<i64: 1, 768>}, {pipeline_mode = #tpu.pipeline_mode<synchronous>, transform_indices = @transform_2, window_bounds = array<i64: 1, 768>}, {transform_indices = @transform_3, window_bounds = array<i64: 768, 256>}, {transform_indices = @transform_4, window_bounds = array<i64: 1, 256>}, {transform_indices = @transform_5, window_bounds = array<i64: 2048, 256>}]} {
    %eq3A = arith.constant 0 : i32
    %eq3A_0 = arith.cmpi eq, %arg0, %eq3A : i32
    %convert_element_type3A = arith.extui %eq3A_0 : i1 to i32
    %cond3A = arith.constant 0 : i32
    %cond3A_1 = arith.cmpi ne, %convert_element_type3A, %cond3A : i32
    scf.if %cond3A_1 {
      %get3A_25 = arith.constant 0 : index
      %get3A_26 = arith.constant 0 : index
      %get3A_27 = vector.load %arg1[%get3A_25, %get3A_26] : memref<2048x768xf32, #tpu.memory_space<vmem>>, vector<2048x768xf32>
      %reduce_sum3A = arith.constant dense<0.000000e+00> : vector<2048xf32>
      %reduce_sum3A_28 = vector.multi_reduction <add>, %get3A_27, %reduce_sum3A [1] : vector<2048x768xf32> to vector<2048xf32>
      %broadcast_in_dim3A = vector.shape_cast %reduce_sum3A_28 : vector<2048xf32> to vector<2048x1xf32>
      %div3A = arith.constant 7.680000e+02 : f32
      %div3A_29 = vector.broadcast %div3A : f32 to vector<2048x1xf32>
      %div3A_30 = arith.divf %broadcast_in_dim3A, %div3A_29 : vector<2048x1xf32>
      %sub3A = vector.broadcast %div3A_30 : vector<2048x1xf32> to vector<2048x768xf32>
      %sub3A_31 = arith.subf %get3A_27, %sub3A : vector<2048x768xf32>
      %mul3A = arith.mulf %sub3A_31, %sub3A_31 : vector<2048x768xf32>
      %reduce_sum3A_32 = arith.constant dense<0.000000e+00> : vector<2048xf32>
      %reduce_sum3A_33 = vector.multi_reduction <add>, %mul3A, %reduce_sum3A_32 [1] : vector<2048x768xf32> to vector<2048xf32>
      %broadcast_in_dim3A_34 = vector.shape_cast %reduce_sum3A_33 : vector<2048xf32> to vector<2048x1xf32>
      %div3A_35 = arith.constant 7.680000e+02 : f32
      %div3A_36 = vector.broadcast %div3A_35 : f32 to vector<2048x1xf32>
      %div3A_37 = arith.divf %broadcast_in_dim3A_34, %div3A_36 : vector<2048x1xf32>
      %sub3A_38 = vector.broadcast %div3A_30 : vector<2048x1xf32> to vector<2048x768xf32>
      %sub3A_39 = arith.subf %get3A_27, %sub3A_38 : vector<2048x768xf32>
      %add3A_40 = arith.constant 9.99999974E-6 : f32
      %add3A_41 = vector.broadcast %add3A_40 : f32 to vector<2048x1xf32>
      %add3A_42 = arith.addf %div3A_37, %add3A_41 : vector<2048x1xf32>
      %sqrt3A = math.sqrt %add3A_42 : vector<2048x1xf32>
      %div3A_43 = vector.broadcast %sqrt3A : vector<2048x1xf32> to vector<2048x768xf32>
      %div3A_44 = arith.divf %sub3A_39, %div3A_43 : vector<2048x768xf32>
      %get3A_45 = arith.constant 0 : index
      %get3A_46 = arith.constant 0 : index
      %get3A_47 = vector.load %arg2[%get3A_45, %get3A_46] : memref<1x768xf32, #tpu.memory_space<vmem>>, vector<1x768xf32>
      %mul3A_48 = vector.broadcast %get3A_47 : vector<1x768xf32> to vector<2048x768xf32>
      %mul3A_49 = arith.mulf %div3A_44, %mul3A_48 : vector<2048x768xf32>
      %get3A_50 = arith.constant 0 : index
      %get3A_51 = arith.constant 0 : index
      %get3A_52 = vector.load %arg3[%get3A_50, %get3A_51] : memref<1x768xf32, #tpu.memory_space<vmem>>, vector<1x768xf32>
      %add3A_53 = vector.broadcast %get3A_52 : vector<1x768xf32> to vector<2048x768xf32>
      %add3A_54 = arith.addf %mul3A_49, %add3A_53 : vector<2048x768xf32>
      %swap3A_55 = arith.constant 0 : index
      %swap3A_56 = arith.constant 0 : index
      %swap3A_57 = vector.load %arg7[%swap3A_55, %swap3A_56] : memref<2048x768xf32, #tpu.memory_space<vmem>>, vector<2048x768xf32>
      tpu.vector_store %arg7[%swap3A_55, %swap3A_56], %add3A_54 {strides = array<i32>} : memref<2048x768xf32, #tpu.memory_space<vmem>>, vector<2048x768xf32>,
    } else {
    }
    %get3A = arith.constant 0 : index
    %get3A_2 = arith.constant 0 : index
    %get3A_3 = vector.load %arg7[%get3A, %get3A_2] : memref<2048x768xf32, #tpu.memory_space<vmem>>, vector<2048x768xf32>
    %get3A_4 = arith.constant 0 : index
    %get3A_5 = arith.constant 0 : index
    %get3A_6 = vector.load %arg4[%get3A_4, %get3A_5] : memref<768x256xf32, #tpu.memory_space<vmem>>, vector<768x256xf32>
    %slice3A = vector.extract_strided_slice %get3A_3 {offsets = [0, 0], sizes = [2048, 256], strides = [1, 1]} : vector<2048x768xf32> to vector<2048x256xf32>
    %slice3A_7 = vector.extract_strided_slice %get3A_6 {offsets = [0, 0], sizes = [256, 256], strides = [1, 1]} : vector<768x256xf32> to vector<256x256xf32>
    %dot_general3A = arith.constant dense<0.000000e+00> : vector<2048x256xf32>
    %dot_general3A_8 = tpu.matmul %slice3A, %slice3A_7, %dot_general3A {dimension_numbers = #tpu.dot_dimension_numbers<[1], [0], [0], [1], [0, 0, 1, 1], [], []>, transpose_lhs_hint = false} : vector<2048x256xf32>, vector<256x256xf32>, vector<2048x256xf32> -> vector<2048x256xf32>
    %slice3A_9 = vector.extract_strided_slice %get3A_3 {offsets = [0, 256], sizes = [2048, 256], strides = [1, 1]} : vector<2048x768xf32> to vector<2048x256xf32>
    %slice3A_10 = vector.extract_strided_slice %get3A_6 {offsets = [256, 0], sizes = [256, 256], strides = [1, 1]} : vector<768x256xf32> to vector<256x256xf32>
    %dot_general3A_11 = arith.constant dense<0.000000e+00> : vector<2048x256xf32>
    %dot_general3A_12 = tpu.matmul %slice3A_9, %slice3A_10, %dot_general3A_11 {dimension_numbers = #tpu.dot_dimension_numbers<[1], [0], [0], [1], [0, 0, 1, 1], [], []>, transpose_lhs_hint = false} : vector<2048x256xf32>, vector<256x256xf32>, vector<2048x256xf32> -> vector<2048x256xf32>
    %add3A = arith.addf %dot_general3A_8, %dot_general3A_12 : vector<2048x256xf32>
    %slice3A_13 = vector.extract_strided_slice %get3A_3 {offsets = [0, 512], sizes = [2048, 256], strides = [1, 1]} : vector<2048x768xf32> to vector<2048x256xf32>
    %slice3A_14 = vector.extract_strided_slice %get3A_6 {offsets = [512, 0], sizes = [256, 256], strides = [1, 1]} : vector<768x256xf32> to vector<256x256xf32>
    %dot_general3A_15 = arith.constant dense<0.000000e+00> : vector<2048x256xf32>
    %dot_general3A_16 = tpu.matmul %slice3A_13, %slice3A_14, %dot_general3A_15 {dimension_numbers = #tpu.dot_dimension_numbers<[1], [0], [0], [1], [0, 0, 1, 1], [], []>, transpose_lhs_hint = false} : vector<2048x256xf32>, vector<256x256xf32>, vector<2048x256xf32> -> vector<2048x256xf32>
    %add3A_17 = arith.addf %add3A, %dot_general3A_16 : vector<2048x256xf32>
    %get3A_18 = arith.constant 0 : index
    %get3A_19 = arith.constant 0 : index
    %get3A_20 = vector.load %arg5[%get3A_18, %get3A_19] : memref<1x256xf32, #tpu.memory_space<vmem>>, vector<1x256xf32>
    %add3A_21 = vector.broadcast %get3A_20 : vector<1x256xf32> to vector<2048x256xf32>
    %add3A_22 = arith.addf %add3A_17, %add3A_21 : vector<2048x256xf32>
    %swap3A = arith.constant 0 : index
    %swap3A_23 = arith.constant 0 : index
    %swap3A_24 = vector.load %arg6[%swap3A, %swap3A_23] : memref<2048x256xf32, #tpu.memory_space<vmem>>, vector<2048x256xf32>
    tpu.vector_store %arg6[%swap3A, %swap3A_23], %add3A_22 {strides = array<i32>} : memref<2048x256xf32, #tpu.memory_space<vmem>>, vector<2048x256xf32>,
    return
  }
  func.func @transform_0(%arg0: i32) -> (i32, i32) {
    %c0_i32 = arith.constant 0 : i32
    %c0_i32_0 = arith.constant 0 : i32
    %c0_i32_1 = arith.constant 0 : i32
    return %c0_i32, %c0_i32_0 : i32, i32
  }
  func.func @transform_1(%arg0: i32) -> (i32, i32) {
    %c0_i32 = arith.constant 0 : i32
    %c0_i32_0 = arith.constant 0 : i32
    %c0_i32_1 = arith.constant 0 : i32
    return %c0_i32, %c0_i32_0 : i32, i32
  }
  func.func @transform_2(%arg0: i32) -> (i32, i32) {
    %c0_i32 = arith.constant 0 : i32
    %c0_i32_0 = arith.constant 0 : i32
    %c0_i32_1 = arith.constant 0 : i32
    return %c0_i32, %c0_i32_0 : i32, i32
  }
  func.func @transform_3(%arg0: i32) -> (i32, i32) {
    %c0_i32 = arith.constant 0 : i32
    %c0_i32_0 = arith.constant 0 : i32
    return %c0_i32, %arg0 : i32, i32
  }
  func.func @transform_4(%arg0: i32) -> (i32, i32) {
    %c0_i32 = arith.constant 0 : i32
    %c0_i32_0 = arith.constant 0 : i32
    return %c0_i32, %arg0 : i32, i32
  }
  func.func @transform_5(%arg0: i32) -> (i32, i32) {
    %c0_i32 = arith.constant 0 : i32
    %c0_i32_0 = arith.constant 0 : i32
    return %c0_i32, %arg0 : i32, i32
  }
}

</mosaic_0001>

<sc_bundles>
// kernel: kernel.12.cloned.1.call-start
scs
__scs_entry_jumppad:
0x0: {  	(pc) =	sbr.rel $0x88, $3  }
0x1: {  	(tag) =	ssettag $0x0;
	lr =	simm.s32 $0x1  }
0x2: {  	[smem:$0x3F96] =	sst lr;
	_ =	strace $0xD0000000  }
0x3: {  	_ = 	snop  }
0x4: {  	_ = 	snop  }
0x5: {  	_ = 	snop  }
0x6: {  	_ = 	snop  }
0x7: {  	_ = 	snop  }
__scs_overlays_trampoline_lowered:
0x8: {  	[smem:$0x3FA5] =	sst s0  }
0x9: {  	[smem:$0x3FA6] =	sst s1  }
0xa: {  	[smem:$0x3FA7] =	sst s2  }
0xb: {  	[smem:$0x3FA8] =	sst s3  }
0xc: {  	[smem:$0x3FA9] =	sst s4  }
0xd: {  	[smem:$0x3FAA] =	sst s5  }
0xe: {  	[smem:$0x3FAB] =	sst s6  }
0xf: {  	[smem:$0x3FAC] =	sst s7  }
0x10: {  	[smem:$0x3FAD] =	sst s8  }
0x11: {  	[smem:$0x3FAE] =	sst s9;
	s0 =	simm.s32 @!p0 $0x0  }
0x12: {  	s1 =	sld [smem:$0x3F94];
	s0 =	simm.s32 @p0 $0x1  }
0x13: {  	[smem:$0x3FAF] =	sst s0;
	s0 =	simm.s32 @!p1 $0x0  }
0x14: {  	s2 =	sld [smem:$0x3F93];
	s0 =	simm.s32 @p1 $0x1  }
0x15: {  	[smem:$0x3FB0] =	sst s0;
	s0 =	simm.s32 @!p2 $0x0  }
0x16: {  	s3 =	sld [smem:$0x3FDB];
	s0 =	simm.s32 @p2 $0x1  }
0x17: {  	s4 =	simm.s32 $0x1BF5;
	[smem:$0x3FB2] =	sst s0  }
0x18: {  	s0 =	sld [smem:$0x3F95];
	_ =	swait.ge [sflag:s4], $0x0  }
0x19: {  	s7 =	sld [smem:$0x3F96]  }
0x1a: {  	s8 =	sadd.s32 $0xFFFFE003, lr  }
0x1b: {  	s9 =	sadd.s32 $0xFFFFFEF7, lr;
	s5 =	simm.s32 $0xFFFFFFFF;
	p2 =	slt.u32 s8, $0xFFFFF086  }
0x1c: {  	p1 =	slt.u32 s9, $0xF7A;
	s5 =	simm.s32 @!p2 $0x0  }
0x1d: {  	s5 =	simm.s32 @p1 $0x1;
	p0 =	seq.s32 s7, s2  }
0x1e: {  	s7 =	smul.u32 @!p0 $0xF7A, s2;
	p2 =	seq.s32 @!p0 s5, $0x0  }
0x1f: {  	s9 =	smul.u32 $0xF7A, s1;
	s8 =	simm.s32 @!p0 $0x1BF5;
	p2 =	por !p2, p0  }
0x20: {  	[sflag:s8] =	ssyncset.s32 @!p0 $0xFFFFF086;
	s6 =	sadd.s32 @!p0 s3, s7;
	s7 =	simm.s32 @!p0 $0x108  }
0x21: {  	s3 =	sadd.s32 s3, s9;
	s6 =	sadd.s32 @!p0 $0x88, s6;
	s7 =	simm.s32 @p2 $0x1082  }
0x22: {  	[simem:s7], [sflag:s8] =	dma.local @!p0 [hbm:s6], $0xF7A  }
0x23: {  	s9 =	sor.u32 $0xD0000000, s2;
	s6 =	simm.s32 $0x108;
	_ =	swait.ge @!p0 [sflag:s8], $0x0  }
0x24: {  	s3 =	sadd.s32 $0x88, s3;
	s6 =	simm.s32 @!p1 $0x1082;
	[sflag:s4] =	ssyncset.s32 $0xFFFFF086  }
0x25: {  	[simem:s6], [sflag:s4] =	dma.local [hbm:s3], $0xF7A  }
0x26: {  	[smem:$0x3F96] =	sst s1;
	(tag) =	ssettag s2;
	_ =	strace s9  }
0x27: {  	s1 =	sld [smem:$0x3FA6]  }
0x28: {  	s2 =	sld [smem:$0x3FA7]  }
0x29: {  	s4 =	sld [smem:$0x3FA9]  }
0x2a: {  	p0 =	seq.s32 s5, $0x0;
	s5 =	sld [smem:$0x3FAA]  }
0x2b: {  	s6 =	sld [smem:$0x3FAB]  }
0x2c: {  	s7 =	sld [smem:$0x3FAC]  }
0x2d: {  	s3 =	simm.s32 $0x108;
	s8 =	sld [smem:$0x3FAD]  }
0x2e: {  	s3 =	simm.s32 @!p0 $0x1082;
	s9 =	sld [smem:$0x3FAE]  }
0x2f: {  	lr =	sadd.s32 s0, s3;
	s0 =	sld [smem:$0x3FA5]  }
0x30: {  	s3 =	sld [smem:$0x3FA8]  }
0x31: {  	[smem:$0x3FB1] =	sst s10  }
0x32: {  	s10 =	sld [smem:$0x3FAF];
	_ =	sdelay $0x3  }
0x33: {  	p0 =	seq.s32 s10, $0x1;
	s10 =	sld [smem:$0x3FB1];
	_ =	sdelay $0x3  }
0x34: {  	[smem:$0x3FB1] =	sst s10  }
0x35: {  	s10 =	sld [smem:$0x3FB0];
	_ =	sdelay $0x3  }
0x36: {  	p1 =	seq.s32 s10, $0x1;
	s10 =	sld [smem:$0x3FB1];
	_ =	sdelay $0x3  }
0x37: {  	[smem:$0x3FB1] =	sst s10  }
0x38: {  	s10 =	sld [smem:$0x3FB2]  }
0x39: {  	_ = 	snop;
	(pc) =	sbr.ind lr, $3  }
0x3a: {  	_ = 	snop  }
0x3b: {  	_ = 	snop  }
0x3c: {  	p2 =	seq.s32 s10, $0x1;
	s10 =	sld [smem:$0x3FB1]  }
0x3d: {  	_ =	shalt  }
0x3e: {  	_ =	shalt  }
0x3f: {  	_ =	shalt  }
0x40: {  	_ =	shalt  }
0x41: {  	_ =	shalt  }
0x42: {  	_ =	shalt  }
0x43: {  	_ =	shalt  }
0x44: {  	_ =	shalt  }
0x45: {  	_ =	shalt  }
0x46: {  	_ =	shalt  }
0x47: {  	_ =	shalt  }
0x48: {  	_ =	shalt  }
0x49: {  	_ =	shalt  }
0x4a: {  	_ =	shalt  }
0x4b: {  	_ =	shalt  }
0x4c: {  	_ =	shalt  }
0x4d: {  	_ =	shalt  }
0x4e: {  	_ =	shalt  }
0x4f: {  	_ =	shalt  }
0x50: {  	_ =	shalt  }
0x51: {  	_ =	shalt  }
0x52: {  	_ =	shalt  }
0x53: {  	_ =	shalt  }
0x54: {  	_ =	shalt  }
0x55: {  	_ =	shalt  }
0x56: {  	_ =	shalt  }
0x57: {  	_ =	shalt  }
0x58: {  	_ =	shalt  }
0x59: {  	_ =	shalt  }
0x5a: {  	_ =	shalt  }
0x5b: {  	_ =	shalt  }
0x5c: {  	_ =	shalt  }
0x5d: {  	_ =	shalt  }
0x5e: {  	_ =	shalt  }
0x5f: {  	_ =	shalt  }
0x60: {  	_ =	shalt  }
0x61: {  	_ =	shalt  }
0x62: {  	_ =	shalt  }
0x63: {  	_ =	shalt  }
0x64: {  	_ =	shalt  }
0x65: {  	_ =	shalt  }
0x66: {  	_ =	shalt  }
0x67: {  	_ =	shalt  }
0x68: {  	_ =	shalt  }
0x69: {  	_ =	shalt  }
0x6a: {  	_ =	shalt  }
0x6b: {  	_ =	shalt  }
0x6c: {  	_ =	shalt  }
0x6d: {  	_ =	shalt  }
0x6e: {  	_ =	shalt  }
0x6f: {  	_ =	shalt  }
0x70: {  	_ =	shalt  }
0x71: {  	_ =	shalt  }
0x72: {  	_ =	shalt  }
0x73: {  	_ =	shalt  }
0x74: {  	_ =	shalt  }
0x75: {  	_ =	shalt  }
0x76: {  	_ =	shalt  }
0x77: {  	_ =	shalt  }
0x78: {  	_ =	shalt  }
0x79: {  	_ =	shalt  }
0x7a: {  	_ =	shalt  }
0x7b: {  	_ =	shalt  }
0x7c: {  	_ =	shalt  }
0x7d: {  	_ =	shalt  }
0x7e: {  	_ =	shalt  }
0x7f: {  	_ =	shalt  }
0x80: {  	_ =	shalt  }
0x81: {  	_ =	shalt  }
0x82: {  	_ =	shalt  }
0x83: {  	_ =	shalt  }
0x84: {  	_ =	shalt  }
0x85: {  	_ =	shalt  }
0x86: {  	_ =	shalt  }
0x87: {  	_ =	shalt  }
.Lfunc_end0:
.L_simem_size_0:
called_computation_lowered:
.L_overlay_start_0:
0x88: {  	s2 =	sld [smem:$0x3FD9]  }
0x89: {  	s3 =	sld [smem:$0x3FFE];
	_ =	sdelay $0x1  }
0x8a: {  	s1 =	srdreg.scid  }
0x8b: {  	s0 =	sand.u32 $0x1, s1  }
0x8c: {  	s18 =	sshll.u32 s0, $0xA;
	s2 =	sadd.s32 s3, s2  }
0x8d: {  	s2 =	sadd.s32 s2, s18  }
0x8e: {  	[smem:$0x3FBD] =	sst s2  }
0x8f: {  	_ = 	snop  }
0x90: {  	s2 =	sld [smem:$0x3FC9]  }
0x91: {  	s19 =	sld [smem:$0x3FC8]  }
0x92: {  	s4 =	sld [smem:$0x3FD0];
	(tm) =	ssettm $0x1  }
0x93: {  	s5 =	sld [smem:$0x3FFB];
	_ =	sdelay $0x3  }
0x94: {  	_ =	strace s5  }
0x95: {  	s5 =	sld [smem:$0x3FFC];
	_ =	sdelay $0x3  }
0x96: {  	_ =	strace s5  }
0x97: {  	s5 =	sld [smem:$0x3FFD];
	_ =	sdelay $0x3  }
0x98: {  	_ =	strace s5  }
0x99: {  	_ =	strace $0x8FFFFFFF  }
0x9a: {  	s20 =	sld [smem:$0x3FDB];
	_ =	sdelay $0x1  }
0x9b: {  	s6 =	simm.s32 $_scs_section_size  }
0x9c: {  	s7 =	simm.s32 $_size__tile_overlayer_lowered;
	s8 =	simm.s32 $_tile_overlayer_lowered  }
0x9d: {  	s23 =	simm.s32 $0x1BFF;
	s22 =	sshll.u32 s8, $0x1;
	s5 =	sadd.s32 s6, s20  }
0x9e: {  	s9 =	simm.s32 $0x0;
	s21 =	sshll.u32 s7, $0x1;
	s7 =	sadd.s32 s22, s5  }
0x9f: {  	[timem:s9], [sflag:s23] =	dma.local [hbm:s7], s21  }
0xa0: {  	_ =	swait.ge [sflag:s23], s21  }
0xa1: {  	s6 =	ssub.s32 $0x0, s21;
	[sflag:s23] =	ssyncset.done $0x0  }
0xa2: {  	[sflag:s23] =	ssyncadd.s32 s6;
	_ =	sdelay $0x1  }
0xa3: {  	s24 =	simm.s32 $0x1B8B  }
0xa4: {  	_ =	swait.ge [sflag:s24], $0x1  }
0xa5: {  	[sflag:s24] =	ssyncset.done $0x0  }
0xa6: {  	s25 =	simm.s32 $0x1B8E;
	[sflag:s24] =	ssyncadd.s32 $0xFFFFFFFF  }
0xa7: {  	s26 =	simm.s32 $execute0_lowered;
	[smem:$0x3FD2] =	sst s25  }
0xa8: {  	s6 =	sshll.u32 s26, $0x1;
	_ =	strace $0x80000046;
	[dreg:$0x1] =	wrdreg $0xFFFFFFFF  }
0xa9: {  	s28 =	simm.s32 $_size_execute0_lowered;
	s5 =	sadd.s32 s5, s6;
	[dreg:$0x0] =	wrdreg $0x0  }
0xaa: {  	s6 =	sshll.u32 s28, $0x1;
	[dreg:$0x2] =	wrdreg s5  }
0xab: {  	[dreg:$0x3] =	wrdreg s6  }
0xac: {  	[dreg:$0x4] =	wrdreg $0xC0  }
0xad: {  	_ =	task [dreg:s9], $0x5FFFF  }
0xae: {  	[dreg:$0x1] =	wrdreg $0xFFFFFFFF  }
0xaf: {  	[dreg:$0x0] =	wrdreg $0x60  }
0xb0: {  	[dreg:$0x2] =	wrdreg s19  }
0xb1: {  	[dreg:$0x3] =	wrdreg s2  }
0xb2: {  	[dreg:$0x4] =	wrdreg s4  }
0xb3: {  	[dreg:$0x5] =	wrdreg $0x9  }
0xb4: {  	_ =	task.clear_ibuf [dreg:s9], $0x6FFFF;
	_ =	strace $0x90000046  }
0xb5: {  	s29 =	simm.s32 $0x9;
	_ =	strace $0x80000048  }
0xb6: {  	_ =	swait.ge [sflag:s29], $0x1  }
0xb7: {  	[sflag:s29] =	ssyncadd.s32 $0xFFFFFFFF  }
0xb8: {  	_ =	strace $0x90000048  }
0xb9: {  	_ =	sfence  }
0xba: {  	s30 =	sld [smem:$0x0];
	_ =	sdelay $0x2  }
0xbb: {  	s31 =	sshll.u32 s1, $0xD;
	s1 =	sshrl.u32 s1, $0x2  }
0xbc: {  	s3 =	sand.u32 $0x4000, s31;
	s1 =	sadd.s32 s1, s30  }
0xbd: {  	s0 =	sor.u32 s3, s0;
	s1 =	sshll.u32 s1, $0x11  }
0xbe: {  	s0 =	sor.u32 s1, s0  }
0xbf: {  	s0 =	sadd.s32 $0x8F2B, s0  }
0xc0: {  	[sflag:s0] =	ssyncadd.remote.s32 $0x1  }
0xc1: {  	_ =	sfence.sel $0xFFFF  }
0xc2: {  	[dreg:$0x0] =	wrdreg $0xFFFFFFFF;
	(pc) =	sbr.abs _section_cstart, $3  }
0xc3: {  	[dreg:$0x1] =	wrdreg $0xFFFFFFFF  }
0xc4: {  	_ =	task.clear_ibuf [dreg:s9], $0x2FFFF;
	_ =	strace $0x9FFFFFFF  }
0xc5: {  	(tm) =	ssettm $0x7FFFFFFF  }
tec
execute0_lowered:
.L_overlay_start_1:
0x0: {  	(tag) =	ssettag $0x1  }
0x1: {  	s2 =	rddreg [dreg:$0x0]  }
0x2: {  	s0 =	rddreg [dreg:$0x1];
	s3 =	srdreg.scid  }
0x3: {  	s5 =	rddreg [dreg:$0x2];
	s1 =	stileid.u32  }
0x4: {  	s26 =	simm.s32 $0x880;
	s9 =	simm.s32 $0x1080;
	s10 =	simm.s32 $0x1880  }
0x5: {  	s11 =	simm.s32 $0x2080;
	s12 =	simm.s32 $0x2880;
	s13 =	simm.s32 $0x3080  }
0x6: {  	s14 =	simm.s32 $0x3880;
	s15 =	simm.s32 $0x4080;
	s16 =	simm.s32 $0x4880  }
0x7: {  	s17 =	simm.s32 $0x5080;
	s18 =	simm.s32 $0x5880;
	s19 =	simm.s32 $0x6080  }
0x8: {  	s20 =	simm.s32 $0x6880;
	s21 =	simm.s32 $0x7080;
	s22 =	simm.s32 $0x7880  }
0x9: {  	s23 =	simm.s32 $0x8080;
	s28 =	simm.s32 $0xA080;
	s29 =	simm.s32 $0xA880  }
0xa: {  	s30 =	simm.s32 $0xB080;
	s31 =	simm.s32 $0xB880;
	s4 =	sand.u32 $0x1, s3  }
0xb: {  	s6 =	sshll.u32 s1, $0x4;
	s3 =	simm.s32 $0x0;
	s7 =	sshll.u32 s4, $0x3  }
0xc: {  	s4 =	ssub.s32 $0x2, s4;
	[smem:$0x7FF] =	sst s3;
	s6 =	sor.u32 s7, s6  }
0xd: {  	s24 =	sshrl.u32 s4, $0x1;
	_ =	strace $0x80000047;
	[dreg:$0x6] =	wrdreg s26  }
0xe: {  	s26 =	simm.s32 $0x9880;
	s8 =	smul.u32 $0x300, s6;
	s7 =	ssub.s32 s4, s24  }
0xf: {  	s0 =	sadd.s32 s0, s6;
	s4 =	sadd.s32 $0x100, s2;
	s24 =	simm.s32 $0x8880  }
0x10: {  	v2 =	vlaneseq.u32;
	[dreg:$0x4] =	wrdreg s0;
	s6 =	smax.u32 s7, $0x1;
	s7 =	simm.s32 $0x2  }
0x11: {  	vm0 =	vmmov $0xffff;
	v1 =	vshrl.u32 v2, $0x3;
	s0 =	simm.s32 $0x1;
	s25 =	sadd.s32 s5, s8;
	s5 =	sadd.s32 $0x200, s2  }
0x12: {  	v0 =	vand.u32 $0x7, v2;
	v2 =	vor.u32 $0x8, v2;
	v1 =	vmul.u32 $0x8, v1;
	s8 =	simm.s32 $0x80;
	[dreg:$0x5] =	wrdreg s25;
	s25 =	simm.s32 $0x9080  }
.LBB2_1:
0x13: {  	s1 =	rddreg [dreg:$0x4]  }
0x14: {  	[tilespmem:s3], [sflag:$0x2] =	stream.linear.gather [hbm4b:s1+s3], $0x40, $0x38;
	[tilespmem:$0xC080] =	vst v63  }
0x15: {  	_ =	swait.ge [sflag:s7], $0x40  }
0x16: {  	[sflag:s7] =	ssyncset.done $0x0  }
0x17: {  	[sflag:s7] =	ssyncadd.s32 $0xFFFFFFC0  }
0x18: {  	v3 =	vld [tilespmem:$0x0];
	_ =	sdelay $0x4  }
0x19: {  	v4 =	vshrl.u32 v3, $0x3  }
0x1a: {  	v4 =	vmul.u32 $0x30, v4  }
0x1b: {  	v3 =	vand.u32 $0x7, v3  }
0x1c: {  	v3 =	vor.u32 v3, v4  }
0x1d: {  	v4 =	vperm.xlane v3, v0;
	_ =	sdelay $0x1  }
0x1e: {  	v4 =	vadd.s32 v1, v4;
	_ =	sdelay $0x3  }
0x1f: {  	v3 =	vperm.xlane v3, v2  }
0x20: {  	[tilespmem:s8], [sflag:$0x1] =	stream.indirect_vreg.gather [hbm4b:s2+s3], $0x80, v4, vm0, $0xb8;
	[tilespmem:$0xC080] =	vst v63  }
0x21: {  	s1 =	rddreg [dreg:$0x6];
	v3 =	vadd.s32 v1, v3  }
0x22: {  	[tilespmem:s1], [sflag:$0x1] =	stream.indirect_vreg.gather [hbm4b:s4+s3], $0x80, v4, vm0, $0xb8;
	[tilespmem:$0xC080] =	vst v63  }
0x23: {  	_ = 	snop  }
0x24: {  	[tilespmem:s9], [sflag:$0x1] =	stream.indirect_vreg.gather [hbm4b:s5+s3], $0x80, v4, vm0, $0xb8;
	[tilespmem:$0xC080] =	vst v63  }
0x25: {  	_ = 	snop  }
0x26: {  	[tilespmem:s10], [sflag:$0x1] =	stream.indirect_vreg.gather [hbm4b:s2+s3], $0x80, v3, vm0, $0xb8;
	[tilespmem:$0xC080] =	vst v63  }
0x27: {  	_ = 	snop  }
0x28: {  	[tilespmem:s11], [sflag:$0x1] =	stream.indirect_vreg.gather [hbm4b:s4+s3], $0x80, v3, vm0, $0xb8;
	[tilespmem:$0xC080] =	vst v63  }
0x29: {  	_ = 	snop  }
0x2a: {  	[tilespmem:s12], [sflag:$0x1] =	stream.indirect_vreg.gather [hbm4b:s5+s3], $0x80, v3, vm0, $0xb8;
	[tilespmem:$0xC080] =	vst v63  }
0x2b: {  	v3 =	vld [tilespmem:$0x10];
	_ =	sdelay $0x4  }
0x2c: {  	v61 =	vshrl.u32 v3, $0x3  }
0x2d: {  	v4 =	vmul.u32 $0x30, v61  }
0x2e: {  	v3 =	vand.u32 $0x7, v3  }
0x2f: {  	v3 =	vor.u32 v3, v4  }
0x30: {  	v4 =	vperm.xlane v3, v0;
	_ =	sdelay $0x1  }
0x31: {  	v4 =	vadd.s32 v1, v4;
	_ =	sdelay $0x3  }
0x32: {  	v3 =	vperm.xlane v3, v2  }
0x33: {  	[tilespmem:s13], [sflag:$0x1] =	stream.indirect_vreg.gather [hbm4b:s2+s3], $0x80, v4, vm0, $0xb8;
	[tilespmem:$0xC080] =	vst v63  }
0x34: {  	v3 =	vadd.s32 v1, v3  }
0x35: {  	[tilespmem:s14], [sflag:$0x1] =	stream.indirect_vreg.gather [hbm4b:s4+s3], $0x80, v4, vm0, $0xb8;
	[tilespmem:$0xC080] =	vst v63  }
0x36: {  	_ = 	snop  }
0x37: {  	[tilespmem:s15], [sflag:$0x1] =	stream.indirect_vreg.gather [hbm4b:s5+s3], $0x80, v4, vm0, $0xb8;
	[tilespmem:$0xC080] =	vst v63  }
0x38: {  	_ = 	snop  }
0x39: {  	[tilespmem:s16], [sflag:$0x1] =	stream.indirect_vreg.gather [hbm4b:s2+s3], $0x80, v3, vm0, $0xb8;
	[tilespmem:$0xC080] =	vst v63  }
0x3a: {  	_ = 	snop  }
0x3b: {  	[tilespmem:s17], [sflag:$0x1] =	stream.indirect_vreg.gather [hbm4b:s4+s3], $0x80, v3, vm0, $0xb8;
	[tilespmem:$0xC080] =	vst v63  }
0x3c: {  	_ = 	snop  }
0x3d: {  	[tilespmem:s18], [sflag:$0x1] =	stream.indirect_vreg.gather [hbm4b:s5+s3], $0x80, v3, vm0, $0xb8;
	[tilespmem:$0xC080] =	vst v63  }
0x3e: {  	v3 =	vld [tilespmem:$0x20];
	_ =	sdelay $0x4  }
0x3f: {  	v62 =	vshrl.u32 v3, $0x3  }
0x40: {  	v4 =	vmul.u32 $0x30, v62  }
0x41: {  	v3 =	vand.u32 $0x7, v3  }
0x42: {  	v3 =	vor.u32 v3, v4  }
0x43: {  	v4 =	vperm.xlane v3, v0;
	_ =	sdelay $0x1  }
0x44: {  	v4 =	vadd.s32 v1, v4;
	_ =	sdelay $0x3  }
0x45: {  	v3 =	vperm.xlane v3, v2  }
0x46: {  	[tilespmem:s19], [sflag:$0x1] =	stream.indirect_vreg.gather [hbm4b:s2+s3], $0x80, v4, vm0, $0xb8;
	[tilespmem:$0xC080] =	vst v63  }
0x47: {  	v3 =	vadd.s32 v1, v3  }
0x48: {  	[tilespmem:s20], [sflag:$0x1] =	stream.indirect_vreg.gather [hbm4b:s4+s3], $0x80, v4, vm0, $0xb8;
	[tilespmem:$0xC080] =	vst v63  }
0x49: {  	_ = 	snop  }
0x4a: {  	[tilespmem:s21], [sflag:$0x1] =	stream.indirect_vreg.gather [hbm4b:s5+s3], $0x80, v4, vm0, $0xb8;
	[tilespmem:$0xC080] =	vst v63  }
0x4b: {  	_ = 	snop  }
0x4c: {  	[tilespmem:s22], [sflag:$0x1] =	stream.indirect_vreg.gather [hbm4b:s2+s3], $0x80, v3, vm0, $0xb8;
	[tilespmem:$0xC080] =	vst v63  }
0x4d: {  	_ = 	snop  }
0x4e: {  	[tilespmem:s23], [sflag:$0x1] =	stream.indirect_vreg.gather [hbm4b:s4+s3], $0x80, v3, vm0, $0xb8;
	[tilespmem:$0xC080] =	vst v63  }
0x4f: {  	_ = 	snop  }
0x50: {  	[tilespmem:s24], [sflag:$0x1] =	stream.indirect_vreg.gather [hbm4b:s5+s3], $0x80, v3, vm0, $0xb8;
	[tilespmem:$0xC080] =	vst v63  }
0x51: {  	v3 =	vld [tilespmem:$0x30];
	_ =	sdelay $0x4  }
0x52: {  	v63 =	vshrl.u32 v3, $0x3  }
0x53: {  	v4 =	vmul.u32 $0x30, v63  }
0x54: {  	v3 =	vand.u32 $0x7, v3  }
0x55: {  	v3 =	vor.u32 v3, v4  }
0x56: {  	v4 =	vperm.xlane v3, v0;
	_ =	sdelay $0x1  }
0x57: {  	v4 =	vadd.s32 v1, v4;
	_ =	sdelay $0x3  }
0x58: {  	v3 =	vperm.xlane v3, v2  }
0x59: {  	[tilespmem:s25], [sflag:$0x1] =	stream.indirect_vreg.gather [hbm4b:s2+s3], $0x80, v4, vm0, $0xb8;
	[tilespmem:$0xC080] =	vst v63  }
0x5a: {  	v3 =	vadd.s32 v1, v3  }
0x5b: {  	[tilespmem:s26], [sflag:$0x1] =	stream.indirect_vreg.gather [hbm4b:s4+s3], $0x80, v4, vm0, $0xb8;
	[tilespmem:$0xC080] =	vst v63  }
0x5c: {  	_ = 	snop  }
0x5d: {  	[tilespmem:s28], [sflag:$0x1] =	stream.indirect_vreg.gather [hbm4b:s5+s3], $0x80, v4, vm0, $0xb8;
	[tilespmem:$0xC080] =	vst v63  }
0x5e: {  	_ = 	snop  }
0x5f: {  	[tilespmem:s29], [sflag:$0x1] =	stream.indirect_vreg.gather [hbm4b:s2+s3], $0x80, v3, vm0, $0xb8;
	[tilespmem:$0xC080] =	vst v63  }
0x60: {  	_ = 	snop  }
0x61: {  	[tilespmem:s30], [sflag:$0x1] =	stream.indirect_vreg.gather [hbm4b:s4+s3], $0x80, v3, vm0, $0xb8;
	[tilespmem:$0xC080] =	vst v63  }
0x62: {  	_ = 	snop  }
0x63: {  	[tilespmem:s31], [sflag:$0x1] =	stream.indirect_vreg.gather [hbm4b:s5+s3], $0x80, v3, vm0, $0xb8;
	[tilespmem:$0xC080] =	vst v63  }
0x64: {  	_ =	swait.ge [sflag:s0], $0xC000  }
0x65: {  	p0 =	sne.s32 s6, $0x1;
	[sflag:s0] =	ssyncset.done $0x0  }
.Ltmp0:
0x66: {  	s1 =	rddreg [dreg:$0x5];
	[sflag:s0] =	ssyncadd.s32 $0xFFFF4000;
	(pc) =	sbr.rel @p0 .LBB2_1-.Ltmp0, $4  }
0x67: {  	[hbm4b:s1+s3] =	stream.linear.scatter [tilespmem:s8], [sflag:$0x2], $0xC000, $0x38;
	[tilespmem:$0xC080] =	vst v63  }
0x68: {  	_ =	swait.ge [sflag:s7], $0xC000  }
0x69: {  	[sflag:s7] =	ssyncset.done $0x0  }
0x6a: {  	s6 =	sadd.s32 $0xFFFFFFFF, s6;
	[sflag:s7] =	ssyncadd.s32 $0xFFFF4000  }
0x6b: {  	_ =	sfence.sel $0x180000  }
0x6c: {  	[bflag:$0x0] =	sbarrier.arrive $0xFFFF  }
0x6d: {  	_ =	strace $0x90000047  }
0x6e: {  	s0 =	stileid.u32;
	[bflag:$0x2] =	sbarrier.arrive $0xFFFF  }
0x6f: {  	p0 =	sne.s32 s0, $0x0;
	s0 =	rddreg [dreg:$0x3]  }
0x70: {  	s0 =	sadd.s32 @!p0 $0x100000, s0  }
0x71: {  	[sflag:s0] =	ssyncadd.tile.s32 @!p0 $0x1;
	_ =	shalt  }
.Lfunc_end2:
_tile_overlayer_lowered:
.L_overlay_start_2:
0x72: {  	(tag) =	ssettag $0x2  }
0x73: {  	s0 =	rddreg [dreg:$0x0];
	s2 =	stileid.u32  }
0x74: {  	s1 =	rddreg [dreg:$0x1];
	p0 =	sne.s32 s2, $0x0  }
0x75: {  	s3 =	rddreg [dreg:$0x2];
	[bflag:$0x3] =	sbarrier.arrive $0xFFFF;
	s2 =	simm.s32 @!p0 $0x1C02  }
0x76: {  	[timem:s3], [sflag:s2] =	dma.local @!p0 [hbm:s0], s1  }
0x77: {  	s0 =	simm.s32 @!p0 $0x2  }
0x78: {  	_ =	swait.ge @!p0 [sflag:s0], s1  }
0x79: {  	s1 =	ssub.s32 @!p0 $0x0, s1;
	[sflag:s0] =	ssyncset.done @!p0 $0x0  }
0x7a: {  	[sflag:s0] =	ssyncadd.s32 @!p0 s1  }
0x7b: {  	[bflag:$0x3] =	sbarrier.arrive $0xFFFF  }
0x7c: {  	_ =	shalt  }

</sc_bundles>
